<compile_context>
chip_gen: v7x
topology: tpu7x:2x2x1
jax: 0.10.2.dev20260603
libtpu: 0.0.44.dev20260713+nightly
codegen_flags: <defaults>
</compile_context>

<pallas_src>
import functools

import jax
import jax.numpy as jnp
from jax import lax
from jax.experimental import pallas as pl
from jax.experimental.pallas import tpu as pltpu
from jax.experimental.pallas import tpu_sc as plsc

N_A = 10000
E = 320000
D = 128

N_PAD = 10240
NW = 32
CHUNK = 128
CHUNKS_PER_TILE = 80
E_PER_TILE = CHUNK * CHUNKS_PER_TILE
E_PAD = NW * E_PER_TILE
ROW_BLOCKS = N_PAD // CHUNK


def _dense_body(fb_ref, fa_ref, w_ref, b_ref, a1_ref, a2_ref,
                ne_ref, aa_ref, ab_ref):
    ne = jnp.dot(fb_ref[...], w_ref[...],
                 preferred_element_type=jnp.float32) + b_ref[...]
    ne_ref[...] = ne
    nrow = ne.shape[0]
    aa_ref[...] = jnp.sum(fa_ref[...] * a1_ref[...], axis=1).reshape(nrow // D, D)
    ab_ref[...] = jnp.sum(ne * a2_ref[...], axis=1).reshape(nrow // D, D)


def _dense_stage(fb_pad, fa_pad, W, b, a1, a2):
    rb = 1024
    ng = N_PAD // rb
    return pl.pallas_call(
        _dense_body,
        grid=(ng,),
        in_specs=[
            pl.BlockSpec((rb, D), lambda i: (i, 0)),
            pl.BlockSpec((rb, D), lambda i: (i, 0)),
            pl.BlockSpec((D, D), lambda i: (0, 0)),
            pl.BlockSpec((1, D), lambda i: (0, 0)),
            pl.BlockSpec((1, D), lambda i: (0, 0)),
            pl.BlockSpec((1, D), lambda i: (0, 0)),
        ],
        out_specs=[
            pl.BlockSpec((rb, D), lambda i: (i, 0)),
            pl.BlockSpec((rb // D, D), lambda i: (i, 0)),
            pl.BlockSpec((rb // D, D), lambda i: (i, 0)),
        ],
        out_shape=[
            jax.ShapeDtypeStruct((N_PAD, D), jnp.float32),
            jax.ShapeDtypeStruct((ROW_BLOCKS, D), jnp.float32),
            jax.ShapeDtypeStruct((ROW_BLOCKS, D), jnp.float32),
        ],
    )(fb_pad, fa_pad, W, b, a1, a2)


def _edge_body(aa_hbm, ab_hbm, src_hbm, dst_hbm, ne_hbm,
               out_hbm, rs_hbm,
               aa_v, ab_v, rs_v, src_v, dst_v, h_v, rows_v, acc_sh, sem):
    cid = lax.axis_index("c")
    sid = lax.axis_index("s")
    wid = cid * 16 + sid

    zeros16 = jnp.zeros((16,), jnp.float32)

    def _zrow(i, carry):
        for j in range(D // 16):
            rows_v[i, pl.ds(j * 16, 16)] = zeros16
        return carry
    lax.fori_loop(0, CHUNK, _zrow, 0)

    rows_per_sub = N_PAD // 16
    for k in range(rows_per_sub // CHUNK):
        pltpu.sync_copy(rows_v, acc_sh.at[pl.ds(sid * rows_per_sub + k * CHUNK, CHUNK)])

    def _zrs(i, carry):
        rs_v[pl.ds(i * 16, 16)] = zeros16
        return carry
    lax.fori_loop(0, N_PAD // 16, _zrs, 0)

    pltpu.sync_copy(aa_hbm, aa_v)
    pltpu.sync_copy(ab_hbm, ab_v)

    plsc.subcore_barrier()

    def _chunk(k, carry):
        base = wid * E_PER_TILE + k * CHUNK
        pltpu.sync_copy(src_hbm.at[pl.ds(base, CHUNK)], src_v)
        pltpu.sync_copy(dst_hbm.at[pl.ds(base, CHUNK)], dst_v)
        pltpu.async_copy(ne_hbm.at[dst_v], rows_v, sem).wait()

        for i in range(CHUNK // 16):
            si = src_v[pl.ds(i * 16, 16)]
            di = dst_v[pl.ds(i * 16, 16)]
            s = plsc.load_gather(aa_v, [si]) + plsc.load_gather(ab_v, [di])
            el = jnp.where(s > 0, s, 0.1 * (jnp.exp(s) - 1.0))
            h = jnp.exp(el)
            h_v[pl.ds(i * 16, 16)] = h
            plsc.addupdate_scatter(rs_v, [si], h)

        def _scale(e, carry):
            hv = plsc.load_gather(h_v, [jnp.full((16,), e, jnp.int32)])
            for j in range(D // 16):
                rows_v[e, pl.ds(j * 16, 16)] = rows_v[e, pl.ds(j * 16, 16)] * hv
            return carry
        lax.fori_loop(0, CHUNK, _scale, 0)

        pltpu.sync_copy(rows_v, acc_sh.at[src_v], add=True)
        return carry

    lax.fori_loop(0, CHUNKS_PER_TILE, _chunk, 0)

    plsc.subcore_barrier()

    for k in range(rows_per_sub // CHUNK):
        off = sid * rows_per_sub + k * CHUNK
        pltpu.sync_copy(acc_sh.at[pl.ds(off, CHUNK)],
                        out_hbm.at[cid, pl.ds(off, CHUNK)])
    pltpu.sync_copy(rs_v, rs_hbm.at[wid])


def _edge_stage(aa, ab, src_pad, dst_pad, ne_pad):
    mesh = plsc.VectorSubcoreMesh(core_axis_name="c", subcore_axis_name="s")
    k = pl.kernel(
        _edge_body,
        mesh=mesh,
        compiler_params=pltpu.CompilerParams(needs_layout_passes=False),
        out_type=[
            jax.ShapeDtypeStruct((2, N_PAD, D), jnp.float32),
            jax.ShapeDtypeStruct((NW, N_PAD), jnp.float32),
        ],
        scratch_types=[
            pltpu.VMEM((N_PAD,), jnp.float32),
            pltpu.VMEM((N_PAD,), jnp.float32),
            pltpu.VMEM((N_PAD,), jnp.float32),
            pltpu.VMEM((CHUNK,), jnp.int32),
            pltpu.VMEM((CHUNK,), jnp.int32),
            pltpu.VMEM((CHUNK,), jnp.float32),
            pltpu.VMEM((CHUNK, D), jnp.float32),
            pltpu.VMEM_SHARED((N_PAD, D), jnp.float32),
            pltpu.SemaphoreType.DMA,
        ],
    )
    return k(aa, ab, src_pad, dst_pad, ne_pad)


def _combine_body(parts_ref, rsp_ref, out_ref):
    p = parts_ref[0] + parts_ref[1]
    rs = jnp.sum(rsp_ref[...], axis=0)
    rs = jnp.where(rs == 0.0, 1.0, rs)
    out_ref[...] = p / rs[:, None]


def _combine_stage(parts, rs_parts):
    return pl.pallas_call(
        _combine_body,
        grid=(ROW_BLOCKS,),
        in_specs=[
            pl.BlockSpec((2, CHUNK, D), lambda i: (0, i, 0)),
            pl.BlockSpec((NW, CHUNK), lambda i: (0, i)),
        ],
        out_specs=pl.BlockSpec((CHUNK, D), lambda i: (i, 0)),
        out_shape=jax.ShapeDtypeStruct((N_PAD, D), jnp.float32),
    )(parts, rs_parts)


def kernel(feature_a, feature_b, edge_index, W, b, a_param):
    fa_pad = jnp.zeros((N_PAD, D), jnp.float32).at[:N_A].set(feature_a)
    fb_pad = jnp.zeros((N_PAD, D), jnp.float32).at[:N_A].set(feature_b)
    a1 = a_param[:D, 0].reshape(1, D)
    a2 = a_param[D:, 0].reshape(1, D)
    b2 = b.reshape(1, D)

    ei = edge_index.astype(jnp.int32)
    pad = jnp.full((E_PAD - E,), N_A, jnp.int32)
    src_pad = jnp.concatenate([ei[0], pad])
    dst_pad = jnp.concatenate([ei[1], pad])

    ne_pad, aa, ab = _dense_stage(fb_pad, fa_pad, W, b2, a1, a2)
    parts, rs_parts = _edge_stage(aa.reshape(N_PAD), ab.reshape(N_PAD),
                                  src_pad, dst_pad, ne_pad)
    out = _combine_stage(parts, rs_parts)
    return out[:N_A]

# --- scband reference (transcript-rebuilt; emitter-appended) ---
"""Pipeline reference for scband-attention-aggregator-61795989454872 (READ-ONLY COPY).

The authoritative reference and input builder live on the scoring server;
editing this copy changes nothing except your own understanding.
"""

import jax, jax.numpy as jnp
import numpy as np

N_A = 10000
N_B = 10000
E = 320000
A_DIM = 128
B_DIM = 128


def setup_inputs(seed: int = 0) -> dict:
    key = jax.random.key(seed)
    k1, k2, k3, k4, k5 = jax.random.split(key, 5)
    feature_a = jax.random.normal(k1, (N_A, A_DIM), dtype=jnp.float32)
    feature_b = jax.random.normal(k2, (N_B, B_DIM), dtype=jnp.float32)
    # edge_index[0] = source nodes in part A (the aggregation targets),
    # edge_index[1] = neighbor nodes in part B
    edge_index = jax.random.randint(k3, (2, E), 0, N_A, dtype=jnp.int64)
    # nn.Linear(b_dim, b_dim) parameters
    W = (jax.random.normal(k4, (B_DIM, B_DIM), dtype=jnp.float32)
         / np.sqrt(B_DIM)).astype(jnp.float32)
    b = jnp.zeros((B_DIM,), dtype=jnp.float32)
    # attention vector a: [a_dim + b_dim, 1], kaiming-normal init
    a_param = (jax.random.normal(k5, (A_DIM + B_DIM, 1), dtype=jnp.float32)
               * np.sqrt(2.0 / (A_DIM + B_DIM))).astype(jnp.float32)
    return {"feature_a": feature_a, "feature_b": feature_b,
            "edge_index": edge_index, "W": W, "b": b, "a_param": a_param}


def _elu(x, alpha):
    # F.elu(x, alpha)
    return jnp.where(x > 0, x, alpha * (jnp.exp(x) - 1.0))


def reference(feature_a, feature_b, edge_index, W, b, a_param):
    # sign=False path of AttentionAggregator.forward
    src = edge_index[0]
    dst = edge_index[1]
    # out_mlp_layer: Linear(b_dim, b_dim)
    new_emb = feature_b @ W + b
    # edge features: concat(feature_a[src], new_emb[dst])
    edge_h_2 = jnp.concatenate([jnp.take(feature_a, src, axis=0),
                                jnp.take(new_emb, dst, axis=0)], axis=1)
    # edges_h = exp(elu(edge_h_2 @ a, 0.1))
    edges_h = jnp.exp(_elu(edge_h_2 @ a_param, 0.1))[:, 0]
    # sparse row-sum: sum of edge attention weights per source node
    row_sum = jax.ops.segment_sum(edges_h, src, num_segments=N_A)
    row_sum = jnp.where(row_sum == 0, jnp.ones_like(row_sum), row_sum)
    # sparse.mm(matrix, new_emb) == scatter-add of edges_h * new_emb[dst] into src rows
    output_emb = jax.ops.segment_sum(edges_h[:, None] * jnp.take(new_emb, dst, axis=0),
                                     src, num_segments=N_A)
    output_emb = output_emb / row_sum[:, None]
    return output_emb

if __name__ == "__main__":
    import jax
    _d = setup_inputs()
    print(jax.jit(kernel)(*tuple(_d.values())))

</pallas_src>

<mosaic_0001>
#map = affine_map<(d0, d1) -> (0)>
#map1 = affine_map<(d0, d1) -> (0, 0)>
#map2 = affine_map<(d0, d1) -> (0, 0, 0)>
module attributes {stable_mosaic.version = 14 : i64} {
  func.func @_edge_body(%arg0: i32, %arg1: i32, %arg2: memref<10240xf32, #tpu.memory_space<hbm>>, %arg3: memref<10240xf32, #tpu.memory_space<hbm>>, %arg4: memref<327680xi32, #tpu.memory_space<hbm>>, %arg5: memref<327680xi32, #tpu.memory_space<hbm>>, %arg6: memref<10240x128xf32, #tpu.memory_space<hbm>>, %arg7: memref<2x10240x128xf32, #tpu.memory_space<hbm>>, %arg8: memref<32x10240xf32, #tpu.memory_space<hbm>>, %arg9: memref<10240xf32, #tpu.memory_space<vmem>>, %arg10: memref<10240xf32, #tpu.memory_space<vmem>>, %arg11: memref<10240xf32, #tpu.memory_space<vmem>>, %arg12: memref<128xi32, #tpu.memory_space<vmem>>, %arg13: memref<128xi32, #tpu.memory_space<vmem>>, %arg14: memref<128xf32, #tpu.memory_space<vmem>>, %arg15: memref<128x128xf32, #tpu.memory_space<vmem>>, %arg16: memref<10240x128xf32, #tpu.memory_space<vmem_shared>>, %arg17: memref<!tpu.dma_semaphore, #tpu.memory_space<semaphore_mem>>) attributes {dimension_semantics = [#tpu.dimension_semantics<core_parallel>, #tpu.dimension_semantics<subcore_parallel>], iteration_bounds = array<i64: 2, 16>, scalar_prefetch = 0 : i64, scratch_operands = 9 : i64, tpu.core_type = #tpu.core_type<sc_vector_subcore>, window_params = [{transform_indices = #map}, {transform_indices = #map}, {transform_indices = #map}, {transform_indices = #map}, {transform_indices = #map1}, {transform_indices = #map2}, {transform_indices = #map1}]} {
    %mul3A = arith.constant 16 : i32
    %mul3A_0 = arith.muli %arg0, %mul3A : i32
    %add3A = arith.addi %mul3A_0, %arg1 : i32
    %broadcast_in_dim3A = arith.constant 0.000000e+00 : f32
    %broadcast_in_dim3A_1 = vector.broadcast %broadcast_in_dim3A : f32 to vector<16xf32>
    %scan3A = arith.constant 0 : i32
    %scan3A_2 = arith.constant 0 : i32
    %scan3A_3 = arith.constant 128 : i32
    %scan3A_4 = arith.addi %scan3A_2, %scan3A_3 : i32
    %scan3A_5 = arith.constant 1 : i32
    scf.for %scan3A_60 = %scan3A_2 to %scan3A_4 step %scan3A_5  : i32 {
      %swap3A = arith.index_cast %scan3A_60 : i32 to index
      %swap3A_61 = arith.constant 0 : index
      %swap3A_62 = tpu.vector_load %arg15[%swap3A, %swap3A_61] {strides = array<i32>} : memref<128x128xf32, #tpu.memory_space<vmem>>, vector<16xf32>,
      tpu.vector_store %arg15[%swap3A, %swap3A_61], %broadcast_in_dim3A_1 {strides = array<i32>} : memref<128x128xf32, #tpu.memory_space<vmem>>, vector<16xf32>,
      %swap3A_63 = arith.index_cast %scan3A_60 : i32 to index
      %swap3A_64 = arith.constant 16 : index
      %swap3A_65 = tpu.vector_load %arg15[%swap3A_63, %swap3A_64] {strides = array<i32>} : memref<128x128xf32, #tpu.memory_space<vmem>>, vector<16xf32>,
      tpu.vector_store %arg15[%swap3A_63, %swap3A_64], %broadcast_in_dim3A_1 {strides = array<i32>} : memref<128x128xf32, #tpu.memory_space<vmem>>, vector<16xf32>,
      %swap3A_66 = arith.index_cast %scan3A_60 : i32 to index
      %swap3A_67 = arith.constant 32 : index
      %swap3A_68 = tpu.vector_load %arg15[%swap3A_66, %swap3A_67] {strides = array<i32>} : memref<128x128xf32, #tpu.memory_space<vmem>>, vector<16xf32>,
      tpu.vector_store %arg15[%swap3A_66, %swap3A_67], %broadcast_in_dim3A_1 {strides = array<i32>} : memref<128x128xf32, #tpu.memory_space<vmem>>, vector<16xf32>,
      %swap3A_69 = arith.index_cast %scan3A_60 : i32 to index
      %swap3A_70 = arith.constant 48 : index
      %swap3A_71 = tpu.vector_load %arg15[%swap3A_69, %swap3A_70] {strides = array<i32>} : memref<128x128xf32, #tpu.memory_space<vmem>>, vector<16xf32>,
      tpu.vector_store %arg15[%swap3A_69, %swap3A_70], %broadcast_in_dim3A_1 {strides = array<i32>} : memref<128x128xf32, #tpu.memory_space<vmem>>, vector<16xf32>,
      %swap3A_72 = arith.index_cast %scan3A_60 : i32 to index
      %swap3A_73 = arith.constant 64 : index
      %swap3A_74 = tpu.vector_load %arg15[%swap3A_72, %swap3A_73] {strides = array<i32>} : memref<128x128xf32, #tpu.memory_space<vmem>>, vector<16xf32>,
      tpu.vector_store %arg15[%swap3A_72, %swap3A_73], %broadcast_in_dim3A_1 {strides = array<i32>} : memref<128x128xf32, #tpu.memory_space<vmem>>, vector<16xf32>,
      %swap3A_75 = arith.index_cast %scan3A_60 : i32 to index
      %swap3A_76 = arith.constant 80 : index
      %swap3A_77 = tpu.vector_load %arg15[%swap3A_75, %swap3A_76] {strides = array<i32>} : memref<128x128xf32, #tpu.memory_space<vmem>>, vector<16xf32>,
      tpu.vector_store %arg15[%swap3A_75, %swap3A_76], %broadcast_in_dim3A_1 {strides = array<i32>} : memref<128x128xf32, #tpu.memory_space<vmem>>, vector<16xf32>,
      %swap3A_78 = arith.index_cast %scan3A_60 : i32 to index
      %swap3A_79 = arith.constant 96 : index
      %swap3A_80 = tpu.vector_load %arg15[%swap3A_78, %swap3A_79] {strides = array<i32>} : memref<128x128xf32, #tpu.memory_space<vmem>>, vector<16xf32>,
      tpu.vector_store %arg15[%swap3A_78, %swap3A_79], %broadcast_in_dim3A_1 {strides = array<i32>} : memref<128x128xf32, #tpu.memory_space<vmem>>, vector<16xf32>,
      %swap3A_81 = arith.index_cast %scan3A_60 : i32 to index
      %swap3A_82 = arith.constant 112 : index
      %swap3A_83 = tpu.vector_load %arg15[%swap3A_81, %swap3A_82] {strides = array<i32>} : memref<128x128xf32, #tpu.memory_space<vmem>>, vector<16xf32>,
      tpu.vector_store %arg15[%swap3A_81, %swap3A_82], %broadcast_in_dim3A_1 {strides = array<i32>} : memref<128x128xf32, #tpu.memory_space<vmem>>, vector<16xf32>,
    }
    %scan3A_6 = arith.constant 128 : i32
    %mul3A_7 = arith.constant 640 : i32
    %mul3A_8 = arith.muli %arg1, %mul3A_7 : i32
    %add3A_9 = arith.constant 0 : i32
    %add3A_10 = arith.addi %mul3A_8, %add3A_9 : i32
    "tpu.region"() ({
      %run_scoped3A = tpu.sem_alloc : memref<!tpu.dma_semaphore, #tpu.memory_space<semaphore_mem>>
      %dma_start3A = arith.constant 0 : i32
      %dma_start3A_60 = tpu.memref_slice %arg16[%add3A_10, %dma_start3A] : memref<10240x128xf32, #tpu.memory_space<vmem_shared>> -> memref<128x128xf32, #tpu.memory_space<vmem_shared>>
      %dma_start3A_61 = arith.constant 0 : i32
      %dma_start3A_62 = tpu.memref_slice %arg16[%add3A_10, %dma_start3A_61] : memref<10240x128xf32, #tpu.memory_space<vmem_shared>> -> memref<128x128xf32, #tpu.memory_space<vmem_shared>>
      tpu.enqueue_dma source(%arg15 : memref<128x128xf32, #tpu.memory_space<vmem>>) target(%dma_start3A_62 : memref<128x128xf32, #tpu.memory_space<vmem_shared>>) target_semaphore(%run_scoped3A : memref<!tpu.dma_semaphore, #tpu.memory_space<semaphore_mem>>)
      %dma_wait3A = arith.constant 0 : i32
      %dma_wait3A_63 = tpu.memref_slice %arg16[%add3A_10, %dma_wait3A] : memref<10240x128xf32, #tpu.memory_space<vmem_shared>> -> memref<128x128xf32, #tpu.memory_space<vmem_shared>>
      %dma_wait3A_64 = arith.constant 0 : i32
      %dma_wait3A_65 = tpu.memref_slice %arg16[%add3A_10, %dma_wait3A_64] : memref<10240x128xf32, #tpu.memory_space<vmem_shared>> -> memref<128x128xf32, #tpu.memory_space<vmem_shared>>
      tpu.wait_dma2 semaphore(%run_scoped3A : memref<!tpu.dma_semaphore, #tpu.memory_space<semaphore_mem>>) src(%arg15 : memref<128x128xf32, #tpu.memory_space<vmem>>) dst(%dma_wait3A_65 : memref<128x128xf32, #tpu.memory_space<vmem_shared>>)
      tpu.yield
    }) : () -> ()
    %mul3A_11 = arith.constant 640 : i32
    %mul3A_12 = arith.muli %arg1, %mul3A_11 : i32
    %add3A_13 = arith.constant 128 : i32
    %add3A_14 = arith.addi %mul3A_12, %add3A_13 : i32
    "tpu.region"() ({
      %run_scoped3A = tpu.sem_alloc : memref<!tpu.dma_semaphore, #tpu.memory_space<semaphore_mem>>
      %dma_start3A = arith.constant 0 : i32
      %dma_start3A_60 = tpu.memref_slice %arg16[%add3A_14, %dma_start3A] : memref<10240x128xf32, #tpu.memory_space<vmem_shared>> -> memref<128x128xf32, #tpu.memory_space<vmem_shared>>
      %dma_start3A_61 = arith.constant 0 : i32
      %dma_start3A_62 = tpu.memref_slice %arg16[%add3A_14, %dma_start3A_61] : memref<10240x128xf32, #tpu.memory_space<vmem_shared>> -> memref<128x128xf32, #tpu.memory_space<vmem_shared>>
      tpu.enqueue_dma source(%arg15 : memref<128x128xf32, #tpu.memory_space<vmem>>) target(%dma_start3A_62 : memref<128x128xf32, #tpu.memory_space<vmem_shared>>) target_semaphore(%run_scoped3A : memref<!tpu.dma_semaphore, #tpu.memory_space<semaphore_mem>>)
      %dma_wait3A = arith.constant 0 : i32
      %dma_wait3A_63 = tpu.memref_slice %arg16[%add3A_14, %dma_wait3A] : memref<10240x128xf32, #tpu.memory_space<vmem_shared>> -> memref<128x128xf32, #tpu.memory_space<vmem_shared>>
      %dma_wait3A_64 = arith.constant 0 : i32
      %dma_wait3A_65 = tpu.memref_slice %arg16[%add3A_14, %dma_wait3A_64] : memref<10240x128xf32, #tpu.memory_space<vmem_shared>> -> memref<128x128xf32, #tpu.memory_space<vmem_shared>>
      tpu.wait_dma2 semaphore(%run_scoped3A : memref<!tpu.dma_semaphore, #tpu.memory_space<semaphore_mem>>) src(%arg15 : memref<128x128xf32, #tpu.memory_space<vmem>>) dst(%dma_wait3A_65 : memref<128x128xf32, #tpu.memory_space<vmem_shared>>)
      tpu.yield
    }) : () -> ()
    %mul3A_15 = arith.constant 640 : i32
    %mul3A_16 = arith.muli %arg1, %mul3A_15 : i32
    %add3A_17 = arith.constant 256 : i32
    %add3A_18 = arith.addi %mul3A_16, %add3A_17 : i32
    "tpu.region"() ({
      %run_scoped3A = tpu.sem_alloc : memref<!tpu.dma_semaphore, #tpu.memory_space<semaphore_mem>>
      %dma_start3A = arith.constant 0 : i32
      %dma_start3A_60 = tpu.memref_slice %arg16[%add3A_18, %dma_start3A] : memref<10240x128xf32, #tpu.memory_space<vmem_shared>> -> memref<128x128xf32, #tpu.memory_space<vmem_shared>>
      %dma_start3A_61 = arith.constant 0 : i32
      %dma_start3A_62 = tpu.memref_slice %arg16[%add3A_18, %dma_start3A_61] : memref<10240x128xf32, #tpu.memory_space<vmem_shared>> -> memref<128x128xf32, #tpu.memory_space<vmem_shared>>
      tpu.enqueue_dma source(%arg15 : memref<128x128xf32, #tpu.memory_space<vmem>>) target(%dma_start3A_62 : memref<128x128xf32, #tpu.memory_space<vmem_shared>>) target_semaphore(%run_scoped3A : memref<!tpu.dma_semaphore, #tpu.memory_space<semaphore_mem>>)
      %dma_wait3A = arith.constant 0 : i32
      %dma_wait3A_63 = tpu.memref_slice %arg16[%add3A_18, %dma_wait3A] : memref<10240x128xf32, #tpu.memory_space<vmem_shared>> -> memref<128x128xf32, #tpu.memory_space<vmem_shared>>
      %dma_wait3A_64 = arith.constant 0 : i32
      %dma_wait3A_65 = tpu.memref_slice %arg16[%add3A_18, %dma_wait3A_64] : memref<10240x128xf32, #tpu.memory_space<vmem_shared>> -> memref<128x128xf32, #tpu.memory_space<vmem_shared>>
      tpu.wait_dma2 semaphore(%run_scoped3A : memref<!tpu.dma_semaphore, #tpu.memory_space<semaphore_mem>>) src(%arg15 : memref<128x128xf32, #tpu.memory_space<vmem>>) dst(%dma_wait3A_65 : memref<128x128xf32, #tpu.memory_space<vmem_shared>>)
      tpu.yield
    }) : () -> ()
    %mul3A_19 = arith.constant 640 : i32
    %mul3A_20 = arith.muli %arg1, %mul3A_19 : i32
    %add3A_21 = arith.constant 384 : i32
    %add3A_22 = arith.addi %mul3A_20, %add3A_21 : i32
    "tpu.region"() ({
      %run_scoped3A = tpu.sem_alloc : memref<!tpu.dma_semaphore, #tpu.memory_space<semaphore_mem>>
      %dma_start3A = arith.constant 0 : i32
      %dma_start3A_60 = tpu.memref_slice %arg16[%add3A_22, %dma_start3A] : memref<10240x128xf32, #tpu.memory_space<vmem_shared>> -> memref<128x128xf32, #tpu.memory_space<vmem_shared>>
      %dma_start3A_61 = arith.constant 0 : i32
      %dma_start3A_62 = tpu.memref_slice %arg16[%add3A_22, %dma_start3A_61] : memref<10240x128xf32, #tpu.memory_space<vmem_shared>> -> memref<128x128xf32, #tpu.memory_space<vmem_shared>>
      tpu.enqueue_dma source(%arg15 : memref<128x128xf32, #tpu.memory_space<vmem>>) target(%dma_start3A_62 : memref<128x128xf32, #tpu.memory_space<vmem_shared>>) target_semaphore(%run_scoped3A : memref<!tpu.dma_semaphore, #tpu.memory_space<semaphore_mem>>)
      %dma_wait3A = arith.constant 0 : i32
      %dma_wait3A_63 = tpu.memref_slice %arg16[%add3A_22, %dma_wait3A] : memref<10240x128xf32, #tpu.memory_space<vmem_shared>> -> memref<128x128xf32, #tpu.memory_space<vmem_shared>>
      %dma_wait3A_64 = arith.constant 0 : i32
      %dma_wait3A_65 = tpu.memref_slice %arg16[%add3A_22, %dma_wait3A_64] : memref<10240x128xf32, #tpu.memory_space<vmem_shared>> -> memref<128x128xf32, #tpu.memory_space<vmem_shared>>
      tpu.wait_dma2 semaphore(%run_scoped3A : memref<!tpu.dma_semaphore, #tpu.memory_space<semaphore_mem>>) src(%arg15 : memref<128x128xf32, #tpu.memory_space<vmem>>) dst(%dma_wait3A_65 : memref<128x128xf32, #tpu.memory_space<vmem_shared>>)
      tpu.yield
    }) : () -> ()
    %mul3A_23 = arith.constant 640 : i32
    %mul3A_24 = arith.muli %arg1, %mul3A_23 : i32
    %add3A_25 = arith.constant 512 : i32
    %add3A_26 = arith.addi %mul3A_24, %add3A_25 : i32
    "tpu.region"() ({
      %run_scoped3A = tpu.sem_alloc : memref<!tpu.dma_semaphore, #tpu.memory_space<semaphore_mem>>
      %dma_start3A = arith.constant 0 : i32
      %dma_start3A_60 = tpu.memref_slice %arg16[%add3A_26, %dma_start3A] : memref<10240x128xf32, #tpu.memory_space<vmem_shared>> -> memref<128x128xf32, #tpu.memory_space<vmem_shared>>
      %dma_start3A_61 = arith.constant 0 : i32
      %dma_start3A_62 = tpu.memref_slice %arg16[%add3A_26, %dma_start3A_61] : memref<10240x128xf32, #tpu.memory_space<vmem_shared>> -> memref<128x128xf32, #tpu.memory_space<vmem_shared>>
      tpu.enqueue_dma source(%arg15 : memref<128x128xf32, #tpu.memory_space<vmem>>) target(%dma_start3A_62 : memref<128x128xf32, #tpu.memory_space<vmem_shared>>) target_semaphore(%run_scoped3A : memref<!tpu.dma_semaphore, #tpu.memory_space<semaphore_mem>>)
      %dma_wait3A = arith.constant 0 : i32
      %dma_wait3A_63 = tpu.memref_slice %arg16[%add3A_26, %dma_wait3A] : memref<10240x128xf32, #tpu.memory_space<vmem_shared>> -> memref<128x128xf32, #tpu.memory_space<vmem_shared>>
      %dma_wait3A_64 = arith.constant 0 : i32
      %dma_wait3A_65 = tpu.memref_slice %arg16[%add3A_26, %dma_wait3A_64] : memref<10240x128xf32, #tpu.memory_space<vmem_shared>> -> memref<128x128xf32, #tpu.memory_space<vmem_shared>>
      tpu.wait_dma2 semaphore(%run_scoped3A : memref<!tpu.dma_semaphore, #tpu.memory_space<semaphore_mem>>) src(%arg15 : memref<128x128xf32, #tpu.memory_space<vmem>>) dst(%dma_wait3A_65 : memref<128x128xf32, #tpu.memory_space<vmem_shared>>)
      tpu.yield
    }) : () -> ()
    %scan3A_27 = arith.constant 0 : i32
    %scan3A_28 = arith.constant 0 : i32
    %scan3A_29 = arith.constant 640 : i32
    %scan3A_30 = arith.addi %scan3A_28, %scan3A_29 : i32
    %scan3A_31 = arith.constant 1 : i32
    scf.for %scan3A_60 = %scan3A_28 to %scan3A_30 step %scan3A_31  : i32 {
      %mul3A_61 = arith.constant 16 : i32
      %mul3A_62 = arith.muli %scan3A_60, %mul3A_61 : i32
      %swap3A = arith.index_cast %mul3A_62 : i32 to index
      %swap3A_63 = tpu.vector_load %arg11[%swap3A] {strides = array<i32>} : memref<10240xf32, #tpu.memory_space<vmem>>, vector<16xf32>,
      tpu.vector_store %arg11[%swap3A], %broadcast_in_dim3A_1 {strides = array<i32>} : memref<10240xf32, #tpu.memory_space<vmem>>, vector<16xf32>,
    }
    %scan3A_32 = arith.constant 640 : i32
    "tpu.region"() ({
      %run_scoped3A = tpu.sem_alloc : memref<!tpu.dma_semaphore, #tpu.memory_space<semaphore_mem>>
      tpu.enqueue_dma source(%arg2 : memref<10240xf32, #tpu.memory_space<hbm>>) target(%arg9 : memref<10240xf32, #tpu.memory_space<vmem>>) target_semaphore(%run_scoped3A : memref<!tpu.dma_semaphore, #tpu.memory_space<semaphore_mem>>)
      tpu.wait_dma2 semaphore(%run_scoped3A : memref<!tpu.dma_semaphore, #tpu.memory_space<semaphore_mem>>) src(%arg2 : memref<10240xf32, #tpu.memory_space<hbm>>) dst(%arg9 : memref<10240xf32, #tpu.memory_space<vmem>>)
      tpu.yield
    }) : () -> ()
    "tpu.region"() ({
      %run_scoped3A = tpu.sem_alloc : memref<!tpu.dma_semaphore, #tpu.memory_space<semaphore_mem>>
      tpu.enqueue_dma source(%arg3 : memref<10240xf32, #tpu.memory_space<hbm>>) target(%arg10 : memref<10240xf32, #tpu.memory_space<vmem>>) target_semaphore(%run_scoped3A : memref<!tpu.dma_semaphore, #tpu.memory_space<semaphore_mem>>)
      tpu.wait_dma2 semaphore(%run_scoped3A : memref<!tpu.dma_semaphore, #tpu.memory_space<semaphore_mem>>) src(%arg3 : memref<10240xf32, #tpu.memory_space<hbm>>) dst(%arg10 : memref<10240xf32, #tpu.memory_space<vmem>>)
      tpu.yield
    }) : () -> ()
    %barrier3A = arith.constant 0 : index
    tpu.barrier barrier_id(%barrier3A)
    %scan3A_33 = arith.constant 0 : i32
    %scan3A_34 = arith.constant 0 : i32
    %scan3A_35 = arith.constant 80 : i32
    %scan3A_36 = arith.addi %scan3A_34, %scan3A_35 : i32
    %scan3A_37 = arith.constant 1 : i32
    scf.for %scan3A_60 = %scan3A_34 to %scan3A_36 step %scan3A_37  : i32 {
      %mul3A_61 = arith.constant 10240 : i32
      %mul3A_62 = arith.muli %add3A, %mul3A_61 : i32
      %mul3A_63 = arith.constant 128 : i32
      %mul3A_64 = arith.muli %scan3A_60, %mul3A_63 : i32
      %add3A_65 = arith.addi %mul3A_62, %mul3A_64 : i32
      "tpu.region"() ({
        %run_scoped3A = tpu.sem_alloc : memref<!tpu.dma_semaphore, #tpu.memory_space<semaphore_mem>>
        %dma_start3A_237 = tpu.memref_slice %arg4[%add3A_65] : memref<327680xi32, #tpu.memory_space<hbm>> -> memref<128xi32, #tpu.memory_space<hbm>>
        %dma_start3A_238 = tpu.memref_slice %arg4[%add3A_65] : memref<327680xi32, #tpu.memory_space<hbm>> -> memref<128xi32, #tpu.memory_space<hbm>>
        tpu.enqueue_dma source(%dma_start3A_238 : memref<128xi32, #tpu.memory_space<hbm>>) target(%arg12 : memref<128xi32, #tpu.memory_space<vmem>>) target_semaphore(%run_scoped3A : memref<!tpu.dma_semaphore, #tpu.memory_space<semaphore_mem>>)
        %dma_wait3A_239 = tpu.memref_slice %arg4[%add3A_65] : memref<327680xi32, #tpu.memory_space<hbm>> -> memref<128xi32, #tpu.memory_space<hbm>>
        %dma_wait3A_240 = tpu.memref_slice %arg4[%add3A_65] : memref<327680xi32, #tpu.memory_space<hbm>> -> memref<128xi32, #tpu.memory_space<hbm>>
        tpu.wait_dma2 semaphore(%run_scoped3A : memref<!tpu.dma_semaphore, #tpu.memory_space<semaphore_mem>>) src(%dma_wait3A_240 : memref<128xi32, #tpu.memory_space<hbm>>) dst(%arg12 : memref<128xi32, #tpu.memory_space<vmem>>)
        tpu.yield
      }) : () -> ()
      "tpu.region"() ({
        %run_scoped3A = tpu.sem_alloc : memref<!tpu.dma_semaphore, #tpu.memory_space<semaphore_mem>>
        %dma_start3A_237 = tpu.memref_slice %arg5[%add3A_65] : memref<327680xi32, #tpu.memory_space<hbm>> -> memref<128xi32, #tpu.memory_space<hbm>>
        %dma_start3A_238 = tpu.memref_slice %arg5[%add3A_65] : memref<327680xi32, #tpu.memory_space<hbm>> -> memref<128xi32, #tpu.memory_space<hbm>>
        tpu.enqueue_dma source(%dma_start3A_238 : memref<128xi32, #tpu.memory_space<hbm>>) target(%arg13 : memref<128xi32, #tpu.memory_space<vmem>>) target_semaphore(%run_scoped3A : memref<!tpu.dma_semaphore, #tpu.memory_space<semaphore_mem>>)
        %dma_wait3A_239 = tpu.memref_slice %arg5[%add3A_65] : memref<327680xi32, #tpu.memory_space<hbm>> -> memref<128xi32, #tpu.memory_space<hbm>>
        %dma_wait3A_240 = tpu.memref_slice %arg5[%add3A_65] : memref<327680xi32, #tpu.memory_space<hbm>> -> memref<128xi32, #tpu.memory_space<hbm>>
        tpu.wait_dma2 semaphore(%run_scoped3A : memref<!tpu.dma_semaphore, #tpu.memory_space<semaphore_mem>>) src(%dma_wait3A_240 : memref<128xi32, #tpu.memory_space<hbm>>) dst(%arg13 : memref<128xi32, #tpu.memory_space<vmem>>)
        tpu.yield
      }) : () -> ()
      %dma_start3A = arith.constant 0 : i32
      %dma_start3A_66 = arith.constant 0 : i32
      %dma_start3A_67 = tpu.memref_slice %arg6[%dma_start3A, %dma_start3A_66] : memref<10240x128xf32, #tpu.memory_space<hbm>> -> memref<10240x128xf32, #tpu.memory_space<hbm>>
      tpu.enqueue_indirect_dma source(%dma_start3A_67 : memref<10240x128xf32, #tpu.memory_space<hbm>>) target(%arg15 : memref<128x128xf32, #tpu.memory_space<vmem>>) offsets(%arg13 : memref<128xi32, #tpu.memory_space<vmem>>) semaphore(%arg17 : memref<!tpu.dma_semaphore, #tpu.memory_space<semaphore_mem>>)
      %dma_wait3A = arith.constant 0 : i32
      %dma_wait3A_68 = arith.constant 0 : i32
      %dma_wait3A_69 = tpu.memref_slice %arg6[%dma_wait3A, %dma_wait3A_68] : memref<10240x128xf32, #tpu.memory_space<hbm>> -> memref<10240x128xf32, #tpu.memory_space<hbm>>
      tpu.wait_indirect_dma semaphore(%arg17 : memref<!tpu.dma_semaphore, #tpu.memory_space<semaphore_mem>>) src(%dma_wait3A_69 : memref<10240x128xf32, #tpu.memory_space<hbm>>) dst(%arg15 : memref<128x128xf32, #tpu.memory_space<vmem>>)
      %get3A = arith.constant 0 : index
      %get3A_70 = tpu.vector_load %arg12[%get3A] {strides = array<i32>} : memref<128xi32, #tpu.memory_space<vmem>>, vector<16xi32>,
      %get3A_71 = arith.constant 0 : index
      %get3A_72 = tpu.vector_load %arg13[%get3A_71] {strides = array<i32>} : memref<128xi32, #tpu.memory_space<vmem>>, vector<16xi32>,
      %gather3A = tpu.vector_load_idx %arg9[%get3A_70] : memref<10240xf32, #tpu.memory_space<vmem>>[vector<16xi32>], vector<16xf32>,
      %gather3A_73 = tpu.vector_load_idx %arg10[%get3A_72] : memref<10240xf32, #tpu.memory_space<vmem>>[vector<16xi32>], vector<16xf32>,
      %add3A_74 = arith.addf %gather3A, %gather3A_73 : vector<16xf32>
      %gt3A = arith.constant 0.000000e+00 : f32
      %gt3A_75 = vector.broadcast %gt3A : f32 to vector<16xf32>
      %gt3A_76 = arith.cmpf ogt, %add3A_74, %gt3A_75 : vector<16xf32>
      %exp3A = math.exp %add3A_74 : vector<16xf32>
      %sub3A = arith.constant 1.000000e+00 : f32
      %sub3A_77 = vector.broadcast %sub3A : f32 to vector<16xf32>
      %sub3A_78 = arith.subf %exp3A, %sub3A_77 : vector<16xf32>
      %mul3A_79 = arith.constant 1.000000e-01 : f32
      %mul3A_80 = vector.broadcast %mul3A_79 : f32 to vector<16xf32>
      %mul3A_81 = arith.mulf %mul3A_80, %sub3A_78 : vector<16xf32>
      %select_n3A = arith.select %gt3A_76, %add3A_74, %mul3A_81 : vector<16xi1>, vector<16xf32>
      %exp3A_82 = math.exp %select_n3A : vector<16xf32>
      %swap3A = arith.constant 0 : index
      %swap3A_83 = tpu.vector_load %arg14[%swap3A] {strides = array<i32>} : memref<128xf32, #tpu.memory_space<vmem>>, vector<16xf32>,
      tpu.vector_store %arg14[%swap3A], %exp3A_82 {strides = array<i32>} : memref<128xf32, #tpu.memory_space<vmem>>, vector<16xf32>,
      tpu.vector_store_idx %arg11[%get3A_70], %exp3A_82 {add = true} : memref<10240xf32, #tpu.memory_space<vmem>>[vector<16xi32>], vector<16xf32>,
      %get3A_84 = arith.constant 16 : index
      %get3A_85 = tpu.vector_load %arg12[%get3A_84] {strides = array<i32>} : memref<128xi32, #tpu.memory_space<vmem>>, vector<16xi32>,
      %get3A_86 = arith.constant 16 : index
      %get3A_87 = tpu.vector_load %arg13[%get3A_86] {strides = array<i32>} : memref<128xi32, #tpu.memory_space<vmem>>, vector<16xi32>,
      %gather3A_88 = tpu.vector_load_idx %arg9[%get3A_85] : memref<10240xf32, #tpu.memory_space<vmem>>[vector<16xi32>], vector<16xf32>,
      %gather3A_89 = tpu.vector_load_idx %arg10[%get3A_87] : memref<10240xf32, #tpu.memory_space<vmem>>[vector<16xi32>], vector<16xf32>,
      %add3A_90 = arith.addf %gather3A_88, %gather3A_89 : vector<16xf32>
      %gt3A_91 = arith.constant 0.000000e+00 : f32
      %gt3A_92 = vector.broadcast %gt3A_91 : f32 to vector<16xf32>
      %gt3A_93 = arith.cmpf ogt, %add3A_90, %gt3A_92 : vector<16xf32>
      %exp3A_94 = math.exp %add3A_90 : vector<16xf32>
      %sub3A_95 = arith.constant 1.000000e+00 : f32
      %sub3A_96 = vector.broadcast %sub3A_95 : f32 to vector<16xf32>
      %sub3A_97 = arith.subf %exp3A_94, %sub3A_96 : vector<16xf32>
      %mul3A_98 = arith.constant 1.000000e-01 : f32
      %mul3A_99 = vector.broadcast %mul3A_98 : f32 to vector<16xf32>
      %mul3A_100 = arith.mulf %mul3A_99, %sub3A_97 : vector<16xf32>
      %select_n3A_101 = arith.select %gt3A_93, %add3A_90, %mul3A_100 : vector<16xi1>, vector<16xf32>
      %exp3A_102 = math.exp %select_n3A_101 : vector<16xf32>
      %swap3A_103 = arith.constant 16 : index
      %swap3A_104 = tpu.vector_load %arg14[%swap3A_103] {strides = array<i32>} : memref<128xf32, #tpu.memory_space<vmem>>, vector<16xf32>,
      tpu.vector_store %arg14[%swap3A_103], %exp3A_102 {strides = array<i32>} : memref<128xf32, #tpu.memory_space<vmem>>, vector<16xf32>,
      tpu.vector_store_idx %arg11[%get3A_85], %exp3A_102 {add = true} : memref<10240xf32, #tpu.memory_space<vmem>>[vector<16xi32>], vector<16xf32>,
      %get3A_105 = arith.constant 32 : index
      %get3A_106 = tpu.vector_load %arg12[%get3A_105] {strides = array<i32>} : memref<128xi32, #tpu.memory_space<vmem>>, vector<16xi32>,
      %get3A_107 = arith.constant 32 : index
      %get3A_108 = tpu.vector_load %arg13[%get3A_107] {strides = array<i32>} : memref<128xi32, #tpu.memory_space<vmem>>, vector<16xi32>,
      %gather3A_109 = tpu.vector_load_idx %arg9[%get3A_106] : memref<10240xf32, #tpu.memory_space<vmem>>[vector<16xi32>], vector<16xf32>,
      %gather3A_110 = tpu.vector_load_idx %arg10[%get3A_108] : memref<10240xf32, #tpu.memory_space<vmem>>[vector<16xi32>], vector<16xf32>,
      %add3A_111 = arith.addf %gather3A_109, %gather3A_110 : vector<16xf32>
      %gt3A_112 = arith.constant 0.000000e+00 : f32
      %gt3A_113 = vector.broadcast %gt3A_112 : f32 to vector<16xf32>
      %gt3A_114 = arith.cmpf ogt, %add3A_111, %gt3A_113 : vector<16xf32>
      %exp3A_115 = math.exp %add3A_111 : vector<16xf32>
      %sub3A_116 = arith.constant 1.000000e+00 : f32
      %sub3A_117 = vector.broadcast %sub3A_116 : f32 to vector<16xf32>
      %sub3A_118 = arith.subf %exp3A_115, %sub3A_117 : vector<16xf32>
      %mul3A_119 = arith.constant 1.000000e-01 : f32
      %mul3A_120 = vector.broadcast %mul3A_119 : f32 to vector<16xf32>
      %mul3A_121 = arith.mulf %mul3A_120, %sub3A_118 : vector<16xf32>
      %select_n3A_122 = arith.select %gt3A_114, %add3A_111, %mul3A_121 : vector<16xi1>, vector<16xf32>
      %exp3A_123 = math.exp %select_n3A_122 : vector<16xf32>
      %swap3A_124 = arith.constant 32 : index
      %swap3A_125 = tpu.vector_load %arg14[%swap3A_124] {strides = array<i32>} : memref<128xf32, #tpu.memory_space<vmem>>, vector<16xf32>,
      tpu.vector_store %arg14[%swap3A_124], %exp3A_123 {strides = array<i32>} : memref<128xf32, #tpu.memory_space<vmem>>, vector<16xf32>,
      tpu.vector_store_idx %arg11[%get3A_106], %exp3A_123 {add = true} : memref<10240xf32, #tpu.memory_space<vmem>>[vector<16xi32>], vector<16xf32>,
      %get3A_126 = arith.constant 48 : index
      %get3A_127 = tpu.vector_load %arg12[%get3A_126] {strides = array<i32>} : memref<128xi32, #tpu.memory_space<vmem>>, vector<16xi32>,
      %get3A_128 = arith.constant 48 : index
      %get3A_129 = tpu.vector_load %arg13[%get3A_128] {strides = array<i32>} : memref<128xi32, #tpu.memory_space<vmem>>, vector<16xi32>,
      %gather3A_130 = tpu.vector_load_idx %arg9[%get3A_127] : memref<10240xf32, #tpu.memory_space<vmem>>[vector<16xi32>], vector<16xf32>,
      %gather3A_131 = tpu.vector_load_idx %arg10[%get3A_129] : memref<10240xf32, #tpu.memory_space<vmem>>[vector<16xi32>], vector<16xf32>,
      %add3A_132 = arith.addf %gather3A_130, %gather3A_131 : vector<16xf32>
      %gt3A_133 = arith.constant 0.000000e+00 : f32
      %gt3A_134 = vector.broadcast %gt3A_133 : f32 to vector<16xf32>
      %gt3A_135 = arith.cmpf ogt, %add3A_132, %gt3A_134 : vector<16xf32>
      %exp3A_136 = math.exp %add3A_132 : vector<16xf32>
      %sub3A_137 = arith.constant 1.000000e+00 : f32
      %sub3A_138 = vector.broadcast %sub3A_137 : f32 to vector<16xf32>
      %sub3A_139 = arith.subf %exp3A_136, %sub3A_138 : vector<16xf32>
      %mul3A_140 = arith.constant 1.000000e-01 : f32
      %mul3A_141 = vector.broadcast %mul3A_140 : f32 to vector<16xf32>
      %mul3A_142 = arith.mulf %mul3A_141, %sub3A_139 : vector<16xf32>
      %select_n3A_143 = arith.select %gt3A_135, %add3A_132, %mul3A_142 : vector<16xi1>, vector<16xf32>
      %exp3A_144 = math.exp %select_n3A_143 : vector<16xf32>
      %swap3A_145 = arith.constant 48 : index
      %swap3A_146 = tpu.vector_load %arg14[%swap3A_145] {strides = array<i32>} : memref<128xf32, #tpu.memory_space<vmem>>, vector<16xf32>,
      tpu.vector_store %arg14[%swap3A_145], %exp3A_144 {strides = array<i32>} : memref<128xf32, #tpu.memory_space<vmem>>, vector<16xf32>,
      tpu.vector_store_idx %arg11[%get3A_127], %exp3A_144 {add = true} : memref<10240xf32, #tpu.memory_space<vmem>>[vector<16xi32>], vector<16xf32>,
      %get3A_147 = arith.constant 64 : index
      %get3A_148 = tpu.vector_load %arg12[%get3A_147] {strides = array<i32>} : memref<128xi32, #tpu.memory_space<vmem>>, vector<16xi32>,
      %get3A_149 = arith.constant 64 : index
      %get3A_150 = tpu.vector_load %arg13[%get3A_149] {strides = array<i32>} : memref<128xi32, #tpu.memory_space<vmem>>, vector<16xi32>,
      %gather3A_151 = tpu.vector_load_idx %arg9[%get3A_148] : memref<10240xf32, #tpu.memory_space<vmem>>[vector<16xi32>], vector<16xf32>,
      %gather3A_152 = tpu.vector_load_idx %arg10[%get3A_150] : memref<10240xf32, #tpu.memory_space<vmem>>[vector<16xi32>], vector<16xf32>,
      %add3A_153 = arith.addf %gather3A_151, %gather3A_152 : vector<16xf32>
      %gt3A_154 = arith.constant 0.000000e+00 : f32
      %gt3A_155 = vector.broadcast %gt3A_154 : f32 to vector<16xf32>
      %gt3A_156 = arith.cmpf ogt, %add3A_153, %gt3A_155 : vector<16xf32>
      %exp3A_157 = math.exp %add3A_153 : vector<16xf32>
      %sub3A_158 = arith.constant 1.000000e+00 : f32
      %sub3A_159 = vector.broadcast %sub3A_158 : f32 to vector<16xf32>
      %sub3A_160 = arith.subf %exp3A_157, %sub3A_159 : vector<16xf32>
      %mul3A_161 = arith.constant 1.000000e-01 : f32
      %mul3A_162 = vector.broadcast %mul3A_161 : f32 to vector<16xf32>
      %mul3A_163 = arith.mulf %mul3A_162, %sub3A_160 : vector<16xf32>
      %select_n3A_164 = arith.select %gt3A_156, %add3A_153, %mul3A_163 : vector<16xi1>, vector<16xf32>
      %exp3A_165 = math.exp %select_n3A_164 : vector<16xf32>
      %swap3A_166 = arith.constant 64 : index
      %swap3A_167 = tpu.vector_load %arg14[%swap3A_166] {strides = array<i32>} : memref<128xf32, #tpu.memory_space<vmem>>, vector<16xf32>,
      tpu.vector_store %arg14[%swap3A_166], %exp3A_165 {strides = array<i32>} : memref<128xf32, #tpu.memory_space<vmem>>, vector<16xf32>,
      tpu.vector_store_idx %arg11[%get3A_148], %exp3A_165 {add = true} : memref<10240xf32, #tpu.memory_space<vmem>>[vector<16xi32>], vector<16xf32>,
      %get3A_168 = arith.constant 80 : index
      %get3A_169 = tpu.vector_load %arg12[%get3A_168] {strides = array<i32>} : memref<128xi32, #tpu.memory_space<vmem>>, vector<16xi32>,
      %get3A_170 = arith.constant 80 : index
      %get3A_171 = tpu.vector_load %arg13[%get3A_170] {strides = array<i32>} : memref<128xi32, #tpu.memory_space<vmem>>, vector<16xi32>,
      %gather3A_172 = tpu.vector_load_idx %arg9[%get3A_169] : memref<10240xf32, #tpu.memory_space<vmem>>[vector<16xi32>], vector<16xf32>,
      %gather3A_173 = tpu.vector_load_idx %arg10[%get3A_171] : memref<10240xf32, #tpu.memory_space<vmem>>[vector<16xi32>], vector<16xf32>,
      %add3A_174 = arith.addf %gather3A_172, %gather3A_173 : vector<16xf32>
      %gt3A_175 = arith.constant 0.000000e+00 : f32
      %gt3A_176 = vector.broadcast %gt3A_175 : f32 to vector<16xf32>
      %gt3A_177 = arith.cmpf ogt, %add3A_174, %gt3A_176 : vector<16xf32>
      %exp3A_178 = math.exp %add3A_174 : vector<16xf32>
      %sub3A_179 = arith.constant 1.000000e+00 : f32
      %sub3A_180 = vector.broadcast %sub3A_179 : f32 to vector<16xf32>
      %sub3A_181 = arith.subf %exp3A_178, %sub3A_180 : vector<16xf32>
      %mul3A_182 = arith.constant 1.000000e-01 : f32
      %mul3A_183 = vector.broadcast %mul3A_182 : f32 to vector<16xf32>
      %mul3A_184 = arith.mulf %mul3A_183, %sub3A_181 : vector<16xf32>
      %select_n3A_185 = arith.select %gt3A_177, %add3A_174, %mul3A_184 : vector<16xi1>, vector<16xf32>
      %exp3A_186 = math.exp %select_n3A_185 : vector<16xf32>
      %swap3A_187 = arith.constant 80 : index
      %swap3A_188 = tpu.vector_load %arg14[%swap3A_187] {strides = array<i32>} : memref<128xf32, #tpu.memory_space<vmem>>, vector<16xf32>,
      tpu.vector_store %arg14[%swap3A_187], %exp3A_186 {strides = array<i32>} : memref<128xf32, #tpu.memory_space<vmem>>, vector<16xf32>,
      tpu.vector_store_idx %arg11[%get3A_169], %exp3A_186 {add = true} : memref<10240xf32, #tpu.memory_space<vmem>>[vector<16xi32>], vector<16xf32>,
      %get3A_189 = arith.constant 96 : index
      %get3A_190 = tpu.vector_load %arg12[%get3A_189] {strides = array<i32>} : memref<128xi32, #tpu.memory_space<vmem>>, vector<16xi32>,
      %get3A_191 = arith.constant 96 : index
      %get3A_192 = tpu.vector_load %arg13[%get3A_191] {strides = array<i32>} : memref<128xi32, #tpu.memory_space<vmem>>, vector<16xi32>,
      %gather3A_193 = tpu.vector_load_idx %arg9[%get3A_190] : memref<10240xf32, #tpu.memory_space<vmem>>[vector<16xi32>], vector<16xf32>,
      %gather3A_194 = tpu.vector_load_idx %arg10[%get3A_192] : memref<10240xf32, #tpu.memory_space<vmem>>[vector<16xi32>], vector<16xf32>,
      %add3A_195 = arith.addf %gather3A_193, %gather3A_194 : vector<16xf32>
      %gt3A_196 = arith.constant 0.000000e+00 : f32
      %gt3A_197 = vector.broadcast %gt3A_196 : f32 to vector<16xf32>
      %gt3A_198 = arith.cmpf ogt, %add3A_195, %gt3A_197 : vector<16xf32>
      %exp3A_199 = math.exp %add3A_195 : vector<16xf32>
      %sub3A_200 = arith.constant 1.000000e+00 : f32
      %sub3A_201 = vector.broadcast %sub3A_200 : f32 to vector<16xf32>
      %sub3A_202 = arith.subf %exp3A_199, %sub3A_201 : vector<16xf32>
      %mul3A_203 = arith.constant 1.000000e-01 : f32
      %mul3A_204 = vector.broadcast %mul3A_203 : f32 to vector<16xf32>
      %mul3A_205 = arith.mulf %mul3A_204, %sub3A_202 : vector<16xf32>
      %select_n3A_206 = arith.select %gt3A_198, %add3A_195, %mul3A_205 : vector<16xi1>, vector<16xf32>
      %exp3A_207 = math.exp %select_n3A_206 : vector<16xf32>
      %swap3A_208 = arith.constant 96 : index
      %swap3A_209 = tpu.vector_load %arg14[%swap3A_208] {strides = array<i32>} : memref<128xf32, #tpu.memory_space<vmem>>, vector<16xf32>,
      tpu.vector_store %arg14[%swap3A_208], %exp3A_207 {strides = array<i32>} : memref<128xf32, #tpu.memory_space<vmem>>, vector<16xf32>,
      tpu.vector_store_idx %arg11[%get3A_190], %exp3A_207 {add = true} : memref<10240xf32, #tpu.memory_space<vmem>>[vector<16xi32>], vector<16xf32>,
      %get3A_210 = arith.constant 112 : index
      %get3A_211 = tpu.vector_load %arg12[%get3A_210] {strides = array<i32>} : memref<128xi32, #tpu.memory_space<vmem>>, vector<16xi32>,
      %get3A_212 = arith.constant 112 : index
      %get3A_213 = tpu.vector_load %arg13[%get3A_212] {strides = array<i32>} : memref<128xi32, #tpu.memory_space<vmem>>, vector<16xi32>,
      %gather3A_214 = tpu.vector_load_idx %arg9[%get3A_211] : memref<10240xf32, #tpu.memory_space<vmem>>[vector<16xi32>], vector<16xf32>,
      %gather3A_215 = tpu.vector_load_idx %arg10[%get3A_213] : memref<10240xf32, #tpu.memory_space<vmem>>[vector<16xi32>], vector<16xf32>,
      %add3A_216 = arith.addf %gather3A_214, %gather3A_215 : vector<16xf32>
      %gt3A_217 = arith.constant 0.000000e+00 : f32
      %gt3A_218 = vector.broadcast %gt3A_217 : f32 to vector<16xf32>
      %gt3A_219 = arith.cmpf ogt, %add3A_216, %gt3A_218 : vector<16xf32>
      %exp3A_220 = math.exp %add3A_216 : vector<16xf32>
      %sub3A_221 = arith.constant 1.000000e+00 : f32
      %sub3A_222 = vector.broadcast %sub3A_221 : f32 to vector<16xf32>
      %sub3A_223 = arith.subf %exp3A_220, %sub3A_222 : vector<16xf32>
      %mul3A_224 = arith.constant 1.000000e-01 : f32
      %mul3A_225 = vector.broadcast %mul3A_224 : f32 to vector<16xf32>
      %mul3A_226 = arith.mulf %mul3A_225, %sub3A_223 : vector<16xf32>
      %select_n3A_227 = arith.select %gt3A_219, %add3A_216, %mul3A_226 : vector<16xi1>, vector<16xf32>
      %exp3A_228 = math.exp %select_n3A_227 : vector<16xf32>
      %swap3A_229 = arith.constant 112 : index
      %swap3A_230 = tpu.vector_load %arg14[%swap3A_229] {strides = array<i32>} : memref<128xf32, #tpu.memory_space<vmem>>, vector<16xf32>,
      tpu.vector_store %arg14[%swap3A_229], %exp3A_228 {strides = array<i32>} : memref<128xf32, #tpu.memory_space<vmem>>, vector<16xf32>,
      tpu.vector_store_idx %arg11[%get3A_211], %exp3A_228 {add = true} : memref<10240xf32, #tpu.memory_space<vmem>>[vector<16xi32>], vector<16xf32>,
      %scan3A_231 = arith.constant 0 : i32
      %scan3A_232 = arith.constant 0 : i32
      %scan3A_233 = arith.constant 128 : i32
      %scan3A_234 = arith.addi %scan3A_232, %scan3A_233 : i32
      %scan3A_235 = arith.constant 1 : i32
      scf.for %scan3A_237 = %scan3A_232 to %scan3A_234 step %scan3A_235  : i32 {
        %broadcast_in_dim3A_238 = vector.broadcast %scan3A_237 : i32 to vector<16xi32>
        %gather3A_239 = tpu.vector_load_idx %arg14[%broadcast_in_dim3A_238] : memref<128xf32, #tpu.memory_space<vmem>>[vector<16xi32>], vector<16xf32>,
        %get3A_240 = arith.index_cast %scan3A_237 : i32 to index
        %get3A_241 = arith.constant 0 : index
        %get3A_242 = tpu.vector_load %arg15[%get3A_240, %get3A_241] {strides = array<i32>} : memref<128x128xf32, #tpu.memory_space<vmem>>, vector<16xf32>,
        %mul3A_243 = arith.mulf %get3A_242, %gather3A_239 : vector<16xf32>
        %swap3A_244 = arith.index_cast %scan3A_237 : i32 to index
        %swap3A_245 = arith.constant 0 : index
        %swap3A_246 = tpu.vector_load %arg15[%swap3A_244, %swap3A_245] {strides = array<i32>} : memref<128x128xf32, #tpu.memory_space<vmem>>, vector<16xf32>,
        tpu.vector_store %arg15[%swap3A_244, %swap3A_245], %mul3A_243 {strides = array<i32>} : memref<128x128xf32, #tpu.memory_space<vmem>>, vector<16xf32>,
        %get3A_247 = arith.index_cast %scan3A_237 : i32 to index
        %get3A_248 = arith.constant 16 : index
        %get3A_249 = tpu.vector_load %arg15[%get3A_247, %get3A_248] {strides = array<i32>} : memref<128x128xf32, #tpu.memory_space<vmem>>, vector<16xf32>,
        %mul3A_250 = arith.mulf %get3A_249, %gather3A_239 : vector<16xf32>
        %swap3A_251 = arith.index_cast %scan3A_237 : i32 to index
        %swap3A_252 = arith.constant 16 : index
        %swap3A_253 = tpu.vector_load %arg15[%swap3A_251, %swap3A_252] {strides = array<i32>} : memref<128x128xf32, #tpu.memory_space<vmem>>, vector<16xf32>,
        tpu.vector_store %arg15[%swap3A_251, %swap3A_252], %mul3A_250 {strides = array<i32>} : memref<128x128xf32, #tpu.memory_space<vmem>>, vector<16xf32>,
        %get3A_254 = arith.index_cast %scan3A_237 : i32 to index
        %get3A_255 = arith.constant 32 : index
        %get3A_256 = tpu.vector_load %arg15[%get3A_254, %get3A_255] {strides = array<i32>} : memref<128x128xf32, #tpu.memory_space<vmem>>, vector<16xf32>,
        %mul3A_257 = arith.mulf %get3A_256, %gather3A_239 : vector<16xf32>
        %swap3A_258 = arith.index_cast %scan3A_237 : i32 to index
        %swap3A_259 = arith.constant 32 : index
        %swap3A_260 = tpu.vector_load %arg15[%swap3A_258, %swap3A_259] {strides = array<i32>} : memref<128x128xf32, #tpu.memory_space<vmem>>, vector<16xf32>,
        tpu.vector_store %arg15[%swap3A_258, %swap3A_259], %mul3A_257 {strides = array<i32>} : memref<128x128xf32, #tpu.memory_space<vmem>>, vector<16xf32>,
        %get3A_261 = arith.index_cast %scan3A_237 : i32 to index
        %get3A_262 = arith.constant 48 : index
        %get3A_263 = tpu.vector_load %arg15[%get3A_261, %get3A_262] {strides = array<i32>} : memref<128x128xf32, #tpu.memory_space<vmem>>, vector<16xf32>,
        %mul3A_264 = arith.mulf %get3A_263, %gather3A_239 : vector<16xf32>
        %swap3A_265 = arith.index_cast %scan3A_237 : i32 to index
        %swap3A_266 = arith.constant 48 : index
        %swap3A_267 = tpu.vector_load %arg15[%swap3A_265, %swap3A_266] {strides = array<i32>} : memref<128x128xf32, #tpu.memory_space<vmem>>, vector<16xf32>,
        tpu.vector_store %arg15[%swap3A_265, %swap3A_266], %mul3A_264 {strides = array<i32>} : memref<128x128xf32, #tpu.memory_space<vmem>>, vector<16xf32>,
        %get3A_268 = arith.index_cast %scan3A_237 : i32 to index
        %get3A_269 = arith.constant 64 : index
        %get3A_270 = tpu.vector_load %arg15[%get3A_268, %get3A_269] {strides = array<i32>} : memref<128x128xf32, #tpu.memory_space<vmem>>, vector<16xf32>,
        %mul3A_271 = arith.mulf %get3A_270, %gather3A_239 : vector<16xf32>
        %swap3A_272 = arith.index_cast %scan3A_237 : i32 to index
        %swap3A_273 = arith.constant 64 : index
        %swap3A_274 = tpu.vector_load %arg15[%swap3A_272, %swap3A_273] {strides = array<i32>} : memref<128x128xf32, #tpu.memory_space<vmem>>, vector<16xf32>,
        tpu.vector_store %arg15[%swap3A_272, %swap3A_273], %mul3A_271 {strides = array<i32>} : memref<128x128xf32, #tpu.memory_space<vmem>>, vector<16xf32>,
        %get3A_275 = arith.index_cast %scan3A_237 : i32 to index
        %get3A_276 = arith.constant 80 : index
        %get3A_277 = tpu.vector_load %arg15[%get3A_275, %get3A_276] {strides = array<i32>} : memref<128x128xf32, #tpu.memory_space<vmem>>, vector<16xf32>,
        %mul3A_278 = arith.mulf %get3A_277, %gather3A_239 : vector<16xf32>
        %swap3A_279 = arith.index_cast %scan3A_237 : i32 to index
        %swap3A_280 = arith.constant 80 : index
        %swap3A_281 = tpu.vector_load %arg15[%swap3A_279, %swap3A_280] {strides = array<i32>} : memref<128x128xf32, #tpu.memory_space<vmem>>, vector<16xf32>,
        tpu.vector_store %arg15[%swap3A_279, %swap3A_280], %mul3A_278 {strides = array<i32>} : memref<128x128xf32, #tpu.memory_space<vmem>>, vector<16xf32>,
        %get3A_282 = arith.index_cast %scan3A_237 : i32 to index
        %get3A_283 = arith.constant 96 : index
        %get3A_284 = tpu.vector_load %arg15[%get3A_282, %get3A_283] {strides = array<i32>} : memref<128x128xf32, #tpu.memory_space<vmem>>, vector<16xf32>,
        %mul3A_285 = arith.mulf %get3A_284, %gather3A_239 : vector<16xf32>
        %swap3A_286 = arith.index_cast %scan3A_237 : i32 to index
        %swap3A_287 = arith.constant 96 : index
        %swap3A_288 = tpu.vector_load %arg15[%swap3A_286, %swap3A_287] {strides = array<i32>} : memref<128x128xf32, #tpu.memory_space<vmem>>, vector<16xf32>,
        tpu.vector_store %arg15[%swap3A_286, %swap3A_287], %mul3A_285 {strides = array<i32>} : memref<128x128xf32, #tpu.memory_space<vmem>>, vector<16xf32>,
        %get3A_289 = arith.index_cast %scan3A_237 : i32 to index
        %get3A_290 = arith.constant 112 : index
        %get3A_291 = tpu.vector_load %arg15[%get3A_289, %get3A_290] {strides = array<i32>} : memref<128x128xf32, #tpu.memory_space<vmem>>, vector<16xf32>,
        %mul3A_292 = arith.mulf %get3A_291, %gather3A_239 : vector<16xf32>
        %swap3A_293 = arith.index_cast %scan3A_237 : i32 to index
        %swap3A_294 = arith.constant 112 : index
        %swap3A_295 = tpu.vector_load %arg15[%swap3A_293, %swap3A_294] {strides = array<i32>} : memref<128x128xf32, #tpu.memory_space<vmem>>, vector<16xf32>,
        tpu.vector_store %arg15[%swap3A_293, %swap3A_294], %mul3A_292 {strides = array<i32>} : memref<128x128xf32, #tpu.memory_space<vmem>>, vector<16xf32>,
      }
      %scan3A_236 = arith.constant 128 : i32
      "tpu.region"() ({
        %run_scoped3A = tpu.sem_alloc : memref<!tpu.dma_semaphore, #tpu.memory_space<semaphore_mem>>
        %dma_start3A_237 = arith.constant 0 : i32
        %dma_start3A_238 = arith.constant 0 : i32
        %dma_start3A_239 = tpu.memref_slice %arg16[%dma_start3A_237, %dma_start3A_238] : memref<10240x128xf32, #tpu.memory_space<vmem_shared>> -> memref<10240x128xf32, #tpu.memory_space<vmem_shared>>
        tpu.enqueue_indirect_dma source(%arg15 : memref<128x128xf32, #tpu.memory_space<vmem>>) target(%dma_start3A_239 : memref<10240x128xf32, #tpu.memory_space<vmem_shared>>) offsets(%arg12 : memref<128xi32, #tpu.memory_space<vmem>>) semaphore(%run_scoped3A : memref<!tpu.dma_semaphore, #tpu.memory_space<semaphore_mem>>) {add = true}
        %dma_wait3A_240 = arith.constant 0 : i32
        %dma_wait3A_241 = arith.constant 0 : i32
        %dma_wait3A_242 = tpu.memref_slice %arg16[%dma_wait3A_240, %dma_wait3A_241] : memref<10240x128xf32, #tpu.memory_space<vmem_shared>> -> memref<10240x128xf32, #tpu.memory_space<vmem_shared>>
        tpu.wait_indirect_dma semaphore(%run_scoped3A : memref<!tpu.dma_semaphore, #tpu.memory_space<semaphore_mem>>) src(%arg15 : memref<128x128xf32, #tpu.memory_space<vmem>>) dst(%dma_wait3A_242 : memref<10240x128xf32, #tpu.memory_space<vmem_shared>>)
        tpu.yield
      }) : () -> ()
    }
    %scan3A_38 = arith.constant 80 : i32
    %barrier3A_39 = arith.constant 0 : index
    tpu.barrier barrier_id(%barrier3A_39)
    %mul3A_40 = arith.constant 640 : i32
    %mul3A_41 = arith.muli %arg1, %mul3A_40 : i32
    %add3A_42 = arith.constant 0 : i32
    %add3A_43 = arith.addi %mul3A_41, %add3A_42 : i32
    "tpu.region"() ({
      %run_scoped3A = tpu.sem_alloc : memref<!tpu.dma_semaphore, #tpu.memory_space<semaphore_mem>>
      %dma_start3A = arith.constant 0 : i32
      %dma_start3A_60 = tpu.memref_slice %arg7[%arg0, %add3A_43, %dma_start3A] : memref<2x10240x128xf32, #tpu.memory_space<hbm>> -> memref<1x128x128xf32, #tpu.memory_space<hbm>>
      %dma_start3A_61 = tpu.memref_squeeze %dma_start3A_60 : memref<1x128x128xf32, #tpu.memory_space<hbm>> -> memref<128x128xf32, #tpu.memory_space<hbm>>
      %dma_start3A_62 = arith.constant 0 : i32
      %dma_start3A_63 = tpu.memref_slice %arg16[%add3A_43, %dma_start3A_62] : memref<10240x128xf32, #tpu.memory_space<vmem_shared>> -> memref<128x128xf32, #tpu.memory_space<vmem_shared>>
      tpu.enqueue_dma source(%dma_start3A_63 : memref<128x128xf32, #tpu.memory_space<vmem_shared>>) target(%dma_start3A_61 : memref<128x128xf32, #tpu.memory_space<hbm>>) target_semaphore(%run_scoped3A : memref<!tpu.dma_semaphore, #tpu.memory_space<semaphore_mem>>)
      %dma_wait3A = arith.constant 0 : i32
      %dma_wait3A_64 = tpu.memref_slice %arg7[%arg0, %add3A_43, %dma_wait3A] : memref<2x10240x128xf32, #tpu.memory_space<hbm>> -> memref<1x128x128xf32, #tpu.memory_space<hbm>>
      %dma_wait3A_65 = tpu.memref_squeeze %dma_wait3A_64 : memref<1x128x128xf32, #tpu.memory_space<hbm>> -> memref<128x128xf32, #tpu.memory_space<hbm>>
      %dma_wait3A_66 = arith.constant 0 : i32
      %dma_wait3A_67 = tpu.memref_slice %arg16[%add3A_43, %dma_wait3A_66] : memref<10240x128xf32, #tpu.memory_space<vmem_shared>> -> memref<128x128xf32, #tpu.memory_space<vmem_shared>>
      tpu.wait_dma2 semaphore(%run_scoped3A : memref<!tpu.dma_semaphore, #tpu.memory_space<semaphore_mem>>) src(%dma_wait3A_67 : memref<128x128xf32, #tpu.memory_space<vmem_shared>>) dst(%dma_wait3A_65 : memref<128x128xf32, #tpu.memory_space<hbm>>)
      tpu.yield
    }) : () -> ()
    %mul3A_44 = arith.constant 640 : i32
    %mul3A_45 = arith.muli %arg1, %mul3A_44 : i32
    %add3A_46 = arith.constant 128 : i32
    %add3A_47 = arith.addi %mul3A_45, %add3A_46 : i32
    "tpu.region"() ({
      %run_scoped3A = tpu.sem_alloc : memref<!tpu.dma_semaphore, #tpu.memory_space<semaphore_mem>>
      %dma_start3A = arith.constant 0 : i32
      %dma_start3A_60 = tpu.memref_slice %arg7[%arg0, %add3A_47, %dma_start3A] : memref<2x10240x128xf32, #tpu.memory_space<hbm>> -> memref<1x128x128xf32, #tpu.memory_space<hbm>>
      %dma_start3A_61 = tpu.memref_squeeze %dma_start3A_60 : memref<1x128x128xf32, #tpu.memory_space<hbm>> -> memref<128x128xf32, #tpu.memory_space<hbm>>
      %dma_start3A_62 = arith.constant 0 : i32
      %dma_start3A_63 = tpu.memref_slice %arg16[%add3A_47, %dma_start3A_62] : memref<10240x128xf32, #tpu.memory_space<vmem_shared>> -> memref<128x128xf32, #tpu.memory_space<vmem_shared>>
      tpu.enqueue_dma source(%dma_start3A_63 : memref<128x128xf32, #tpu.memory_space<vmem_shared>>) target(%dma_start3A_61 : memref<128x128xf32, #tpu.memory_space<hbm>>) target_semaphore(%run_scoped3A : memref<!tpu.dma_semaphore, #tpu.memory_space<semaphore_mem>>)
      %dma_wait3A = arith.constant 0 : i32
      %dma_wait3A_64 = tpu.memref_slice %arg7[%arg0, %add3A_47, %dma_wait3A] : memref<2x10240x128xf32, #tpu.memory_space<hbm>> -> memref<1x128x128xf32, #tpu.memory_space<hbm>>
      %dma_wait3A_65 = tpu.memref_squeeze %dma_wait3A_64 : memref<1x128x128xf32, #tpu.memory_space<hbm>> -> memref<128x128xf32, #tpu.memory_space<hbm>>
      %dma_wait3A_66 = arith.constant 0 : i32
      %dma_wait3A_67 = tpu.memref_slice %arg16[%add3A_47, %dma_wait3A_66] : memref<10240x128xf32, #tpu.memory_space<vmem_shared>> -> memref<128x128xf32, #tpu.memory_space<vmem_shared>>
      tpu.wait_dma2 semaphore(%run_scoped3A : memref<!tpu.dma_semaphore, #tpu.memory_space<semaphore_mem>>) src(%dma_wait3A_67 : memref<128x128xf32, #tpu.memory_space<vmem_shared>>) dst(%dma_wait3A_65 : memref<128x128xf32, #tpu.memory_space<hbm>>)
      tpu.yield
    }) : () -> ()
    %mul3A_48 = arith.constant 640 : i32
    %mul3A_49 = arith.muli %arg1, %mul3A_48 : i32
    %add3A_50 = arith.constant 256 : i32
    %add3A_51 = arith.addi %mul3A_49, %add3A_50 : i32
    "tpu.region"() ({
      %run_scoped3A = tpu.sem_alloc : memref<!tpu.dma_semaphore, #tpu.memory_space<semaphore_mem>>
      %dma_start3A = arith.constant 0 : i32
      %dma_start3A_60 = tpu.memref_slice %arg7[%arg0, %add3A_51, %dma_start3A] : memref<2x10240x128xf32, #tpu.memory_space<hbm>> -> memref<1x128x128xf32, #tpu.memory_space<hbm>>
      %dma_start3A_61 = tpu.memref_squeeze %dma_start3A_60 : memref<1x128x128xf32, #tpu.memory_space<hbm>> -> memref<128x128xf32, #tpu.memory_space<hbm>>
      %dma_start3A_62 = arith.constant 0 : i32
      %dma_start3A_63 = tpu.memref_slice %arg16[%add3A_51, %dma_start3A_62] : memref<10240x128xf32, #tpu.memory_space<vmem_shared>> -> memref<128x128xf32, #tpu.memory_space<vmem_shared>>
      tpu.enqueue_dma source(%dma_start3A_63 : memref<128x128xf32, #tpu.memory_space<vmem_shared>>) target(%dma_start3A_61 : memref<128x128xf32, #tpu.memory_space<hbm>>) target_semaphore(%run_scoped3A : memref<!tpu.dma_semaphore, #tpu.memory_space<semaphore_mem>>)
      %dma_wait3A = arith.constant 0 : i32
      %dma_wait3A_64 = tpu.memref_slice %arg7[%arg0, %add3A_51, %dma_wait3A] : memref<2x10240x128xf32, #tpu.memory_space<hbm>> -> memref<1x128x128xf32, #tpu.memory_space<hbm>>
      %dma_wait3A_65 = tpu.memref_squeeze %dma_wait3A_64 : memref<1x128x128xf32, #tpu.memory_space<hbm>> -> memref<128x128xf32, #tpu.memory_space<hbm>>
      %dma_wait3A_66 = arith.constant 0 : i32
      %dma_wait3A_67 = tpu.memref_slice %arg16[%add3A_51, %dma_wait3A_66] : memref<10240x128xf32, #tpu.memory_space<vmem_shared>> -> memref<128x128xf32, #tpu.memory_space<vmem_shared>>
      tpu.wait_dma2 semaphore(%run_scoped3A : memref<!tpu.dma_semaphore, #tpu.memory_space<semaphore_mem>>) src(%dma_wait3A_67 : memref<128x128xf32, #tpu.memory_space<vmem_shared>>) dst(%dma_wait3A_65 : memref<128x128xf32, #tpu.memory_space<hbm>>)
      tpu.yield
    }) : () -> ()
    %mul3A_52 = arith.constant 640 : i32
    %mul3A_53 = arith.muli %arg1, %mul3A_52 : i32
    %add3A_54 = arith.constant 384 : i32
    %add3A_55 = arith.addi %mul3A_53, %add3A_54 : i32
    "tpu.region"() ({
      %run_scoped3A = tpu.sem_alloc : memref<!tpu.dma_semaphore, #tpu.memory_space<semaphore_mem>>
      %dma_start3A = arith.constant 0 : i32
      %dma_start3A_60 = tpu.memref_slice %arg7[%arg0, %add3A_55, %dma_start3A] : memref<2x10240x128xf32, #tpu.memory_space<hbm>> -> memref<1x128x128xf32, #tpu.memory_space<hbm>>
      %dma_start3A_61 = tpu.memref_squeeze %dma_start3A_60 : memref<1x128x128xf32, #tpu.memory_space<hbm>> -> memref<128x128xf32, #tpu.memory_space<hbm>>
      %dma_start3A_62 = arith.constant 0 : i32
      %dma_start3A_63 = tpu.memref_slice %arg16[%add3A_55, %dma_start3A_62] : memref<10240x128xf32, #tpu.memory_space<vmem_shared>> -> memref<128x128xf32, #tpu.memory_space<vmem_shared>>
      tpu.enqueue_dma source(%dma_start3A_63 : memref<128x128xf32, #tpu.memory_space<vmem_shared>>) target(%dma_start3A_61 : memref<128x128xf32, #tpu.memory_space<hbm>>) target_semaphore(%run_scoped3A : memref<!tpu.dma_semaphore, #tpu.memory_space<semaphore_mem>>)
      %dma_wait3A = arith.constant 0 : i32
      %dma_wait3A_64 = tpu.memref_slice %arg7[%arg0, %add3A_55, %dma_wait3A] : memref<2x10240x128xf32, #tpu.memory_space<hbm>> -> memref<1x128x128xf32, #tpu.memory_space<hbm>>
      %dma_wait3A_65 = tpu.memref_squeeze %dma_wait3A_64 : memref<1x128x128xf32, #tpu.memory_space<hbm>> -> memref<128x128xf32, #tpu.memory_space<hbm>>
      %dma_wait3A_66 = arith.constant 0 : i32
      %dma_wait3A_67 = tpu.memref_slice %arg16[%add3A_55, %dma_wait3A_66] : memref<10240x128xf32, #tpu.memory_space<vmem_shared>> -> memref<128x128xf32, #tpu.memory_space<vmem_shared>>
      tpu.wait_dma2 semaphore(%run_scoped3A : memref<!tpu.dma_semaphore, #tpu.memory_space<semaphore_mem>>) src(%dma_wait3A_67 : memref<128x128xf32, #tpu.memory_space<vmem_shared>>) dst(%dma_wait3A_65 : memref<128x128xf32, #tpu.memory_space<hbm>>)
      tpu.yield
    }) : () -> ()
    %mul3A_56 = arith.constant 640 : i32
    %mul3A_57 = arith.muli %arg1, %mul3A_56 : i32
    %add3A_58 = arith.constant 512 : i32
    %add3A_59 = arith.addi %mul3A_57, %add3A_58 : i32
    "tpu.region"() ({
      %run_scoped3A = tpu.sem_alloc : memref<!tpu.dma_semaphore, #tpu.memory_space<semaphore_mem>>
      %dma_start3A = arith.constant 0 : i32
      %dma_start3A_60 = tpu.memref_slice %arg7[%arg0, %add3A_59, %dma_start3A] : memref<2x10240x128xf32, #tpu.memory_space<hbm>> -> memref<1x128x128xf32, #tpu.memory_space<hbm>>
      %dma_start3A_61 = tpu.memref_squeeze %dma_start3A_60 : memref<1x128x128xf32, #tpu.memory_space<hbm>> -> memref<128x128xf32, #tpu.memory_space<hbm>>
      %dma_start3A_62 = arith.constant 0 : i32
      %dma_start3A_63 = tpu.memref_slice %arg16[%add3A_59, %dma_start3A_62] : memref<10240x128xf32, #tpu.memory_space<vmem_shared>> -> memref<128x128xf32, #tpu.memory_space<vmem_shared>>
      tpu.enqueue_dma source(%dma_start3A_63 : memref<128x128xf32, #tpu.memory_space<vmem_shared>>) target(%dma_start3A_61 : memref<128x128xf32, #tpu.memory_space<hbm>>) target_semaphore(%run_scoped3A : memref<!tpu.dma_semaphore, #tpu.memory_space<semaphore_mem>>)
      %dma_wait3A = arith.constant 0 : i32
      %dma_wait3A_64 = tpu.memref_slice %arg7[%arg0, %add3A_59, %dma_wait3A] : memref<2x10240x128xf32, #tpu.memory_space<hbm>> -> memref<1x128x128xf32, #tpu.memory_space<hbm>>
      %dma_wait3A_65 = tpu.memref_squeeze %dma_wait3A_64 : memref<1x128x128xf32, #tpu.memory_space<hbm>> -> memref<128x128xf32, #tpu.memory_space<hbm>>
      %dma_wait3A_66 = arith.constant 0 : i32
      %dma_wait3A_67 = tpu.memref_slice %arg16[%add3A_59, %dma_wait3A_66] : memref<10240x128xf32, #tpu.memory_space<vmem_shared>> -> memref<128x128xf32, #tpu.memory_space<vmem_shared>>
      tpu.wait_dma2 semaphore(%run_scoped3A : memref<!tpu.dma_semaphore, #tpu.memory_space<semaphore_mem>>) src(%dma_wait3A_67 : memref<128x128xf32, #tpu.memory_space<vmem_shared>>) dst(%dma_wait3A_65 : memref<128x128xf32, #tpu.memory_space<hbm>>)
      tpu.yield
    }) : () -> ()
    "tpu.region"() ({
      %run_scoped3A = tpu.sem_alloc : memref<!tpu.dma_semaphore, #tpu.memory_space<semaphore_mem>>
      %dma_start3A = arith.constant 0 : i32
      %dma_start3A_60 = tpu.memref_slice %arg8[%add3A, %dma_start3A] : memref<32x10240xf32, #tpu.memory_space<hbm>> -> memref<1x10240xf32, #tpu.memory_space<hbm>>
      %dma_start3A_61 = tpu.memref_squeeze %dma_start3A_60 : memref<1x10240xf32, #tpu.memory_space<hbm>> -> memref<10240xf32, #tpu.memory_space<hbm>>
      %dma_start3A_62 = arith.constant 0 : i32
      %dma_start3A_63 = tpu.memref_slice %arg8[%add3A, %dma_start3A_62] : memref<32x10240xf32, #tpu.memory_space<hbm>> -> memref<1x10240xf32, #tpu.memory_space<hbm>>
      %dma_start3A_64 = tpu.memref_squeeze %dma_start3A_63 : memref<1x10240xf32, #tpu.memory_space<hbm>> -> memref<10240xf32, #tpu.memory_space<hbm>>
      tpu.enqueue_dma source(%arg11 : memref<10240xf32, #tpu.memory_space<vmem>>) target(%dma_start3A_64 : memref<10240xf32, #tpu.memory_space<hbm>>) target_semaphore(%run_scoped3A : memref<!tpu.dma_semaphore, #tpu.memory_space<semaphore_mem>>)
      %dma_wait3A = arith.constant 0 : i32
      %dma_wait3A_65 = tpu.memref_slice %arg8[%add3A, %dma_wait3A] : memref<32x10240xf32, #tpu.memory_space<hbm>> -> memref<1x10240xf32, #tpu.memory_space<hbm>>
      %dma_wait3A_66 = tpu.memref_squeeze %dma_wait3A_65 : memref<1x10240xf32, #tpu.memory_space<hbm>> -> memref<10240xf32, #tpu.memory_space<hbm>>
      %dma_wait3A_67 = arith.constant 0 : i32
      %dma_wait3A_68 = tpu.memref_slice %arg8[%add3A, %dma_wait3A_67] : memref<32x10240xf32, #tpu.memory_space<hbm>> -> memref<1x10240xf32, #tpu.memory_space<hbm>>
      %dma_wait3A_69 = tpu.memref_squeeze %dma_wait3A_68 : memref<1x10240xf32, #tpu.memory_space<hbm>> -> memref<10240xf32, #tpu.memory_space<hbm>>
      tpu.wait_dma2 semaphore(%run_scoped3A : memref<!tpu.dma_semaphore, #tpu.memory_space<semaphore_mem>>) src(%arg11 : memref<10240xf32, #tpu.memory_space<vmem>>) dst(%dma_wait3A_69 : memref<10240xf32, #tpu.memory_space<hbm>>)
      tpu.yield
    }) : () -> ()
    return
  }
}

module attributes {stable_mosaic.version = 14 : i64} {
  func.func @_dense_body(%arg0: i32, %arg1: memref<1024x128xf32, #tpu.memory_space<vmem>>, %arg2: memref<1024x128xf32, #tpu.memory_space<vmem>>, %arg3: memref<128x128xf32, #tpu.memory_space<vmem>>, %arg4: memref<1x128xf32, #tpu.memory_space<vmem>>, %arg5: memref<1x128xf32, #tpu.memory_space<vmem>>, %arg6: memref<1x128xf32, #tpu.memory_space<vmem>>, %arg7: memref<1024x128xf32, #tpu.memory_space<vmem>>, %arg8: memref<8x128xf32, #tpu.memory_space<vmem>>, %arg9: memref<8x128xf32, #tpu.memory_space<vmem>>) attributes {dimension_semantics = [#tpu.dimension_semantics<arbitrary>], iteration_bounds = array<i64: 10>, scalar_prefetch = 0 : i64, scratch_operands = 0 : i64, tpu.core_type = #tpu.core_type<tc>, window_params = [{transform_indices = @transform_0, window_bounds = array<i64: 1024, 128>}, {transform_indices = @transform_1, window_bounds = array<i64: 1024, 128>}, {pipeline_mode = #tpu.pipeline_mode<synchronous>, transform_indices = @transform_2, window_bounds = array<i64: 128, 128>}, {pipeline_mode = #tpu.pipeline_mode<synchronous>, transform_indices = @transform_3, window_bounds = array<i64: 1, 128>}, {pipeline_mode = #tpu.pipeline_mode<synchronous>, transform_indices = @transform_4, window_bounds = array<i64: 1, 128>}, {pipeline_mode = #tpu.pipeline_mode<synchronous>, transform_indices = @transform_5, window_bounds = array<i64: 1, 128>}, {transform_indices = @transform_6, window_bounds = array<i64: 1024, 128>}, {transform_indices = @transform_7, window_bounds = array<i64: 8, 128>}, {transform_indices = @transform_8, window_bounds = array<i64: 8, 128>}]} {
    %get3A = arith.constant 0 : index
    %get3A_0 = arith.constant 0 : index
    %get3A_1 = vector.load %arg1[%get3A, %get3A_0] : memref<1024x128xf32, #tpu.memory_space<vmem>>, vector<1024x128xf32>
    %get3A_2 = arith.constant 0 : index
    %get3A_3 = arith.constant 0 : index
    %get3A_4 = vector.load %arg3[%get3A_2, %get3A_3] : memref<128x128xf32, #tpu.memory_space<vmem>>, vector<128x128xf32>
    %dot_general3A = arith.constant dense<0.000000e+00> : vector<1024x128xf32>
    %dot_general3A_5 = tpu.matmul %get3A_1, %get3A_4, %dot_general3A {dimension_numbers = #tpu.dot_dimension_numbers<[1], [0], [0], [1], [0, 0, 1, 1], [], []>, transpose_lhs_hint = false} : vector<1024x128xf32>, vector<128x128xf32>, vector<1024x128xf32> -> vector<1024x128xf32>
    %get3A_6 = arith.constant 0 : index
    %get3A_7 = arith.constant 0 : index
    %get3A_8 = vector.load %arg4[%get3A_6, %get3A_7] : memref<1x128xf32, #tpu.memory_space<vmem>>, vector<1x128xf32>
    %add3A = vector.broadcast %get3A_8 : vector<1x128xf32> to vector<1024x128xf32>
    %add3A_9 = arith.addf %dot_general3A_5, %add3A : vector<1024x128xf32>
    %swap3A = arith.constant 0 : index
    %swap3A_10 = arith.constant 0 : index
    %swap3A_11 = vector.load %arg7[%swap3A, %swap3A_10] : memref<1024x128xf32, #tpu.memory_space<vmem>>, vector<1024x128xf32>
    tpu.vector_store %arg7[%swap3A, %swap3A_10], %add3A_9 {strides = array<i32>} : memref<1024x128xf32, #tpu.memory_space<vmem>>, vector<1024x128xf32>,
    %get3A_12 = arith.constant 0 : index
    %get3A_13 = arith.constant 0 : index
    %get3A_14 = vector.load %arg2[%get3A_12, %get3A_13] : memref<1024x128xf32, #tpu.memory_space<vmem>>, vector<1024x128xf32>
    %get3A_15 = arith.constant 0 : index
    %get3A_16 = arith.constant 0 : index
    %get3A_17 = vector.load %arg5[%get3A_15, %get3A_16] : memref<1x128xf32, #tpu.memory_space<vmem>>, vector<1x128xf32>
    %mul3A = vector.broadcast %get3A_17 : vector<1x128xf32> to vector<1024x128xf32>
    %mul3A_18 = arith.mulf %get3A_14, %mul3A : vector<1024x128xf32>
    %reduce_sum3A = arith.constant dense<0.000000e+00> : vector<1024xf32>
    %reduce_sum3A_19 = vector.multi_reduction <add>, %mul3A_18, %reduce_sum3A [1] : vector<1024x128xf32> to vector<1024xf32>
    %reshape3A = vector.shape_cast %reduce_sum3A_19 : vector<1024xf32> to vector<8x128xf32>
    %swap3A_20 = arith.constant 0 : index
    %swap3A_21 = arith.constant 0 : index
    %swap3A_22 = vector.load %arg8[%swap3A_20, %swap3A_21] : memref<8x128xf32, #tpu.memory_space<vmem>>, vector<8x128xf32>
    tpu.vector_store %arg8[%swap3A_20, %swap3A_21], %reshape3A {strides = array<i32>} : memref<8x128xf32, #tpu.memory_space<vmem>>, vector<8x128xf32>,
    %get3A_23 = arith.constant 0 : index
    %get3A_24 = arith.constant 0 : index
    %get3A_25 = vector.load %arg6[%get3A_23, %get3A_24] : memref<1x128xf32, #tpu.memory_space<vmem>>, vector<1x128xf32>
    %mul3A_26 = vector.broadcast %get3A_25 : vector<1x128xf32> to vector<1024x128xf32>
    %mul3A_27 = arith.mulf %add3A_9, %mul3A_26 : vector<1024x128xf32>
    %reduce_sum3A_28 = arith.constant dense<0.000000e+00> : vector<1024xf32>
    %reduce_sum3A_29 = vector.multi_reduction <add>, %mul3A_27, %reduce_sum3A_28 [1] : vector<1024x128xf32> to vector<1024xf32>
    %reshape3A_30 = vector.shape_cast %reduce_sum3A_29 : vector<1024xf32> to vector<8x128xf32>
    %swap3A_31 = arith.constant 0 : index
    %swap3A_32 = arith.constant 0 : index
    %swap3A_33 = vector.load %arg9[%swap3A_31, %swap3A_32] : memref<8x128xf32, #tpu.memory_space<vmem>>, vector<8x128xf32>
    tpu.vector_store %arg9[%swap3A_31, %swap3A_32], %reshape3A_30 {strides = array<i32>} : memref<8x128xf32, #tpu.memory_space<vmem>>, vector<8x128xf32>,
    return
  }
  func.func @transform_0(%arg0: i32) -> (i32, i32) {
    %c0_i32 = arith.constant 0 : i32
    %c0_i32_0 = arith.constant 0 : i32
    return %arg0, %c0_i32 : i32, i32
  }
  func.func @transform_1(%arg0: i32) -> (i32, i32) {
    %c0_i32 = arith.constant 0 : i32
    %c0_i32_0 = arith.constant 0 : i32
    return %arg0, %c0_i32 : i32, i32
  }
  func.func @transform_2(%arg0: i32) -> (i32, i32) {
    %c0_i32 = arith.constant 0 : i32
    %c0_i32_0 = arith.constant 0 : i32
    %c0_i32_1 = arith.constant 0 : i32
    return %c0_i32, %c0_i32_0 : i32, i32
  }
  func.func @transform_3(%arg0: i32) -> (i32, i32) {
    %c0_i32 = arith.constant 0 : i32
    %c0_i32_0 = arith.constant 0 : i32
    %c0_i32_1 = arith.constant 0 : i32
    return %c0_i32, %c0_i32_0 : i32, i32
  }
  func.func @transform_4(%arg0: i32) -> (i32, i32) {
    %c0_i32 = arith.constant 0 : i32
    %c0_i32_0 = arith.constant 0 : i32
    %c0_i32_1 = arith.constant 0 : i32
    return %c0_i32, %c0_i32_0 : i32, i32
  }
  func.func @transform_5(%arg0: i32) -> (i32, i32) {
    %c0_i32 = arith.constant 0 : i32
    %c0_i32_0 = arith.constant 0 : i32
    %c0_i32_1 = arith.constant 0 : i32
    return %c0_i32, %c0_i32_0 : i32, i32
  }
  func.func @transform_6(%arg0: i32) -> (i32, i32) {
    %c0_i32 = arith.constant 0 : i32
    %c0_i32_0 = arith.constant 0 : i32
    return %arg0, %c0_i32 : i32, i32
  }
  func.func @transform_7(%arg0: i32) -> (i32, i32) {
    %c0_i32 = arith.constant 0 : i32
    %c0_i32_0 = arith.constant 0 : i32
    return %arg0, %c0_i32 : i32, i32
  }
  func.func @transform_8(%arg0: i32) -> (i32, i32) {
    %c0_i32 = arith.constant 0 : i32
    %c0_i32_0 = arith.constant 0 : i32
    return %arg0, %c0_i32 : i32, i32
  }
}

module attributes {stable_mosaic.version = 14 : i64} {
  func.func @_combine_body(%arg0: i32, %arg1: memref<2x128x128xf32, #tpu.memory_space<vmem>>, %arg2: memref<32x128xf32, #tpu.memory_space<vmem>>, %arg3: memref<128x128xf32, #tpu.memory_space<vmem>>) attributes {dimension_semantics = [#tpu.dimension_semantics<arbitrary>], iteration_bounds = array<i64: 80>, scalar_prefetch = 0 : i64, scratch_operands = 0 : i64, tpu.core_type = #tpu.core_type<tc>, window_params = [{transform_indices = @transform_0, window_bounds = array<i64: 2, 128, 128>}, {transform_indices = @transform_1, window_bounds = array<i64: 32, 128>}, {transform_indices = @transform_2, window_bounds = array<i64: 128, 128>}]} {
    %get3A = arith.constant 0 : index
    %get3A_0 = arith.constant 0 : index
    %get3A_1 = arith.constant 0 : index
    %get3A_2 = vector.load %arg1[%get3A, %get3A_0, %get3A_1] : memref<2x128x128xf32, #tpu.memory_space<vmem>>, vector<1x128x128xf32>
    %get3A_3 = vector.shape_cast %get3A_2 : vector<1x128x128xf32> to vector<128x128xf32>
    %get3A_4 = arith.constant 1 : index
    %get3A_5 = arith.constant 0 : index
    %get3A_6 = arith.constant 0 : index
    %get3A_7 = vector.load %arg1[%get3A_4, %get3A_5, %get3A_6] : memref<2x128x128xf32, #tpu.memory_space<vmem>>, vector<1x128x128xf32>
    %get3A_8 = vector.shape_cast %get3A_7 : vector<1x128x128xf32> to vector<128x128xf32>
    %add3A = arith.addf %get3A_3, %get3A_8 : vector<128x128xf32>
    %get3A_9 = arith.constant 0 : index
    %get3A_10 = arith.constant 0 : index
    %get3A_11 = vector.load %arg2[%get3A_9, %get3A_10] : memref<32x128xf32, #tpu.memory_space<vmem>>, vector<32x128xf32>
    %reduce_sum3A = arith.constant dense<0.000000e+00> : vector<128xf32>
    %reduce_sum3A_12 = vector.multi_reduction <add>, %get3A_11, %reduce_sum3A [0] : vector<32x128xf32> to vector<128xf32>
    %eq3A = arith.constant 0.000000e+00 : f32
    %eq3A_13 = vector.broadcast %eq3A : f32 to vector<128xf32>
    %eq3A_14 = arith.cmpf oeq, %reduce_sum3A_12, %eq3A_13 : vector<128xf32>
    %jit3A = arith.constant 1.000000e+00 : f32
    %broadcast_in_dim3A = vector.broadcast %jit3A : f32 to vector<128xf32>
    %select_n3A = arith.select %eq3A_14, %broadcast_in_dim3A, %reduce_sum3A_12 : vector<128xi1>, vector<128xf32>
    %broadcast_in_dim3A_15 = vector.shape_cast %select_n3A : vector<128xf32> to vector<128x1xf32>
    %div3A = vector.broadcast %broadcast_in_dim3A_15 : vector<128x1xf32> to vector<128x128xf32>
    %div3A_16 = arith.divf %add3A, %div3A : vector<128x128xf32>
    %swap3A = arith.constant 0 : index
    %swap3A_17 = arith.constant 0 : index
    %swap3A_18 = vector.load %arg3[%swap3A, %swap3A_17] : memref<128x128xf32, #tpu.memory_space<vmem>>, vector<128x128xf32>
    tpu.vector_store %arg3[%swap3A, %swap3A_17], %div3A_16 {strides = array<i32>} : memref<128x128xf32, #tpu.memory_space<vmem>>, vector<128x128xf32>,
    return
  }
  func.func @transform_0(%arg0: i32) -> (i32, i32, i32) {
    %c0_i32 = arith.constant 0 : i32
    %c0_i32_0 = arith.constant 0 : i32
    %c0_i32_1 = arith.constant 0 : i32
    return %c0_i32, %arg0, %c0_i32_0 : i32, i32, i32
  }
  func.func @transform_1(%arg0: i32) -> (i32, i32) {
    %c0_i32 = arith.constant 0 : i32
    %c0_i32_0 = arith.constant 0 : i32
    return %c0_i32, %arg0 : i32, i32
  }
  func.func @transform_2(%arg0: i32) -> (i32, i32) {
    %c0_i32 = arith.constant 0 : i32
    %c0_i32_0 = arith.constant 0 : i32
    return %arg0, %c0_i32 : i32, i32
  }
}

</mosaic_0001>

<sc_bundles>
// kernel: kernel.5.cloned.1.call-start
scs
__scs_entry_jumppad:
0x0: {  	(pc) =	sbr.rel $0x88, $3  }
0x1: {  	(tag) =	ssettag $0x0;
	lr =	simm.s32 $0x1  }
0x2: {  	[smem:$0x3F9B] =	sst lr;
	_ =	strace $0xD0000000  }
0x3: {  	_ = 	snop  }
0x4: {  	_ = 	snop  }
0x5: {  	_ = 	snop  }
0x6: {  	_ = 	snop  }
0x7: {  	_ = 	snop  }
__scs_overlays_trampoline_lowered:
0x8: {  	[smem:$0x3FAA] =	sst s0  }
0x9: {  	[smem:$0x3FAB] =	sst s1  }
0xa: {  	[smem:$0x3FAC] =	sst s2  }
0xb: {  	[smem:$0x3FAD] =	sst s3  }
0xc: {  	[smem:$0x3FAE] =	sst s4  }
0xd: {  	[smem:$0x3FAF] =	sst s5  }
0xe: {  	[smem:$0x3FB0] =	sst s6  }
0xf: {  	[smem:$0x3FB1] =	sst s7  }
0x10: {  	[smem:$0x3FB2] =	sst s8  }
0x11: {  	[smem:$0x3FB3] =	sst s9;
	s0 =	simm.s32 @!p0 $0x0  }
0x12: {  	s1 =	sld [smem:$0x3F99];
	s0 =	simm.s32 @p0 $0x1  }
0x13: {  	[smem:$0x3FB4] =	sst s0;
	s0 =	simm.s32 @!p1 $0x0  }
0x14: {  	s2 =	sld [smem:$0x3F98];
	s0 =	simm.s32 @p1 $0x1  }
0x15: {  	[smem:$0x3FB5] =	sst s0;
	s0 =	simm.s32 @!p2 $0x0  }
0x16: {  	s3 =	sld [smem:$0x3FDB];
	s0 =	simm.s32 @p2 $0x1  }
0x17: {  	s4 =	simm.s32 $0x1BF5;
	[smem:$0x3FB7] =	sst s0  }
0x18: {  	s0 =	sld [smem:$0x3F9A];
	_ =	swait.ge [sflag:s4], $0x0  }
0x19: {  	s7 =	sld [smem:$0x3F9B]  }
0x1a: {  	s8 =	sadd.s32 $0xFFFFE003, lr  }
0x1b: {  	s9 =	sadd.s32 $0xFFFFFEF7, lr;
	s5 =	simm.s32 $0xFFFFFFFF;
	p2 =	slt.u32 s8, $0xFFFFF086  }
0x1c: {  	p1 =	slt.u32 s9, $0xF7A;
	s5 =	simm.s32 @!p2 $0x0  }
0x1d: {  	s5 =	simm.s32 @p1 $0x1;
	p0 =	seq.s32 s7, s2  }
0x1e: {  	s7 =	smul.u32 @!p0 $0xF7A, s2;
	p2 =	seq.s32 @!p0 s5, $0x0  }
0x1f: {  	s9 =	smul.u32 $0xF7A, s1;
	s8 =	simm.s32 @!p0 $0x1BF5;
	p2 =	por !p2, p0  }
0x20: {  	[sflag:s8] =	ssyncset.s32 @!p0 $0xFFFFF086;
	s6 =	sadd.s32 @!p0 s3, s7;
	s7 =	simm.s32 @!p0 $0x108  }
0x21: {  	s3 =	sadd.s32 s3, s9;
	s6 =	sadd.s32 @!p0 $0x88, s6;
	s7 =	simm.s32 @p2 $0x1082  }
0x22: {  	[simem:s7], [sflag:s8] =	dma.local @!p0 [hbm:s6], $0xF7A  }
0x23: {  	s9 =	sor.u32 $0xD0000000, s2;
	s6 =	simm.s32 $0x108;
	_ =	swait.ge @!p0 [sflag:s8], $0x0  }
0x24: {  	s3 =	sadd.s32 $0x88, s3;
	s6 =	simm.s32 @!p1 $0x1082;
	[sflag:s4] =	ssyncset.s32 $0xFFFFF086  }
0x25: {  	[simem:s6], [sflag:s4] =	dma.local [hbm:s3], $0xF7A  }
0x26: {  	[smem:$0x3F9B] =	sst s1;
	(tag) =	ssettag s2;
	_ =	strace s9  }
0x27: {  	s1 =	sld [smem:$0x3FAB]  }
0x28: {  	s2 =	sld [smem:$0x3FAC]  }
0x29: {  	s4 =	sld [smem:$0x3FAE]  }
0x2a: {  	p0 =	seq.s32 s5, $0x0;
	s5 =	sld [smem:$0x3FAF]  }
0x2b: {  	s6 =	sld [smem:$0x3FB0]  }
0x2c: {  	s7 =	sld [smem:$0x3FB1]  }
0x2d: {  	s3 =	simm.s32 $0x108;
	s8 =	sld [smem:$0x3FB2]  }
0x2e: {  	s3 =	simm.s32 @!p0 $0x1082;
	s9 =	sld [smem:$0x3FB3]  }
0x2f: {  	lr =	sadd.s32 s0, s3;
	s0 =	sld [smem:$0x3FAA]  }
0x30: {  	s3 =	sld [smem:$0x3FAD]  }
0x31: {  	[smem:$0x3FB6] =	sst s10  }
0x32: {  	s10 =	sld [smem:$0x3FB4];
	_ =	sdelay $0x3  }
0x33: {  	p0 =	seq.s32 s10, $0x1;
	s10 =	sld [smem:$0x3FB6];
	_ =	sdelay $0x3  }
0x34: {  	[smem:$0x3FB6] =	sst s10  }
0x35: {  	s10 =	sld [smem:$0x3FB5];
	_ =	sdelay $0x3  }
0x36: {  	p1 =	seq.s32 s10, $0x1;
	s10 =	sld [smem:$0x3FB6];
	_ =	sdelay $0x3  }
0x37: {  	[smem:$0x3FB6] =	sst s10  }
0x38: {  	s10 =	sld [smem:$0x3FB7]  }
0x39: {  	_ = 	snop;
	(pc) =	sbr.ind lr, $3  }
0x3a: {  	_ = 	snop  }
0x3b: {  	_ = 	snop  }
0x3c: {  	p2 =	seq.s32 s10, $0x1;
	s10 =	sld [smem:$0x3FB6]  }
0x3d: {  	_ =	shalt  }
0x3e: {  	_ =	shalt  }
0x3f: {  	_ =	shalt  }
0x40: {  	_ =	shalt  }
0x41: {  	_ =	shalt  }
0x42: {  	_ =	shalt  }
0x43: {  	_ =	shalt  }
0x44: {  	_ =	shalt  }
0x45: {  	_ =	shalt  }
0x46: {  	_ =	shalt  }
0x47: {  	_ =	shalt  }
0x48: {  	_ =	shalt  }
0x49: {  	_ =	shalt  }
0x4a: {  	_ =	shalt  }
0x4b: {  	_ =	shalt  }
0x4c: {  	_ =	shalt  }
0x4d: {  	_ =	shalt  }
0x4e: {  	_ =	shalt  }
0x4f: {  	_ =	shalt  }
0x50: {  	_ =	shalt  }
0x51: {  	_ =	shalt  }
0x52: {  	_ =	shalt  }
0x53: {  	_ =	shalt  }
0x54: {  	_ =	shalt  }
0x55: {  	_ =	shalt  }
0x56: {  	_ =	shalt  }
0x57: {  	_ =	shalt  }
0x58: {  	_ =	shalt  }
0x59: {  	_ =	shalt  }
0x5a: {  	_ =	shalt  }
0x5b: {  	_ =	shalt  }
0x5c: {  	_ =	shalt  }
0x5d: {  	_ =	shalt  }
0x5e: {  	_ =	shalt  }
0x5f: {  	_ =	shalt  }
0x60: {  	_ =	shalt  }
0x61: {  	_ =	shalt  }
0x62: {  	_ =	shalt  }
0x63: {  	_ =	shalt  }
0x64: {  	_ =	shalt  }
0x65: {  	_ =	shalt  }
0x66: {  	_ =	shalt  }
0x67: {  	_ =	shalt  }
0x68: {  	_ =	shalt  }
0x69: {  	_ =	shalt  }
0x6a: {  	_ =	shalt  }
0x6b: {  	_ =	shalt  }
0x6c: {  	_ =	shalt  }
0x6d: {  	_ =	shalt  }
0x6e: {  	_ =	shalt  }
0x6f: {  	_ =	shalt  }
0x70: {  	_ =	shalt  }
0x71: {  	_ =	shalt  }
0x72: {  	_ =	shalt  }
0x73: {  	_ =	shalt  }
0x74: {  	_ =	shalt  }
0x75: {  	_ =	shalt  }
0x76: {  	_ =	shalt  }
0x77: {  	_ =	shalt  }
0x78: {  	_ =	shalt  }
0x79: {  	_ =	shalt  }
0x7a: {  	_ =	shalt  }
0x7b: {  	_ =	shalt  }
0x7c: {  	_ =	shalt  }
0x7d: {  	_ =	shalt  }
0x7e: {  	_ =	shalt  }
0x7f: {  	_ =	shalt  }
0x80: {  	_ =	shalt  }
0x81: {  	_ =	shalt  }
0x82: {  	_ =	shalt  }
0x83: {  	_ =	shalt  }
0x84: {  	_ =	shalt  }
0x85: {  	_ =	shalt  }
0x86: {  	_ =	shalt  }
0x87: {  	_ =	shalt  }
.Lfunc_end0:
.L_simem_size_0:
called_computation_lowered:
.L_overlay_start_0:
0x88: {  	s2 =	sld [smem:$0x3FD9]  }
0x89: {  	s3 =	sld [smem:$0x3FFE];
	_ =	sdelay $0x1  }
0x8a: {  	s1 =	srdreg.scid  }
0x8b: {  	s0 =	sand.u32 $0x1, s1  }
0x8c: {  	s17 =	sshll.u32 s0, $0xA;
	s2 =	sadd.s32 s3, s2  }
0x8d: {  	s2 =	sadd.s32 s2, s17  }
0x8e: {  	[smem:$0x3FC2] =	sst s2  }
0x8f: {  	_ = 	snop  }
0x90: {  	s2 =	sld [smem:$0x3FD0];
	(tm) =	ssettm $0x1  }
0x91: {  	s18 =	sld [smem:$0x3FFB];
	_ =	sdelay $0x3  }
0x92: {  	_ =	strace s18  }
0x93: {  	s3 =	sld [smem:$0x3FFC];
	_ =	sdelay $0x3  }
0x94: {  	_ =	strace s3  }
0x95: {  	s3 =	sld [smem:$0x3FFD];
	_ =	sdelay $0x3  }
0x96: {  	_ =	strace s3  }
0x97: {  	_ =	strace $0x8FFFFFFF  }
0x98: {  	s19 =	sld [smem:$0x3FDB];
	_ =	sdelay $0x1  }
0x99: {  	s4 =	simm.s32 $_scs_section_size  }
0x9a: {  	s5 =	simm.s32 $_size__tile_overlayer_lowered;
	s6 =	simm.s32 $_tile_overlayer_lowered  }
0x9b: {  	s22 =	simm.s32 $0x1BFF;
	s21 =	sshll.u32 s6, $0x1;
	s3 =	sadd.s32 s4, s19  }
0x9c: {  	s7 =	simm.s32 $0x0;
	s20 =	sshll.u32 s5, $0x1;
	s5 =	sadd.s32 s21, s3  }
0x9d: {  	[timem:s7], [sflag:s22] =	dma.local [hbm:s5], s20  }
0x9e: {  	_ =	swait.ge [sflag:s22], s20  }
0x9f: {  	s4 =	ssub.s32 $0x0, s20;
	[sflag:s22] =	ssyncset.done $0x0  }
0xa0: {  	[sflag:s22] =	ssyncadd.s32 s4;
	_ =	sdelay $0x1  }
0xa1: {  	s23 =	simm.s32 $0x1B8B  }
0xa2: {  	_ =	swait.ge [sflag:s23], $0x1  }
0xa3: {  	[sflag:s23] =	ssyncset.done $0x0  }
0xa4: {  	s25 =	simm.s32 $0x1B8E;
	s24 =	sld [smem:$0x3FFE];
	[sflag:s23] =	ssyncadd.s32 $0xFFFFFFFF  }
0xa5: {  	s26 =	simm.s32 $execute0_lowered;
	[smem:$0x3FD2] =	sst s25  }
0xa6: {  	s5 =	sshll.u32 s26, $0x1;
	_ =	strace $0x80000046;
	[dreg:$0x1] =	wrdreg $0xFFFFFFFF  }
0xa7: {  	s28 =	simm.s32 $_size_execute0_lowered;
	s3 =	sadd.s32 s3, s5;
	[dreg:$0x0] =	wrdreg $0x0  }
0xa8: {  	s5 =	sshll.u32 s28, $0x1;
	[dreg:$0x2] =	wrdreg s3  }
0xa9: {  	[dreg:$0x3] =	wrdreg s5  }
0xaa: {  	[dreg:$0x4] =	wrdreg $0xC0  }
0xab: {  	_ =	task [dreg:s7], $0x5FFFF  }
0xac: {  	[dreg:$0x1] =	wrdreg $0xFFFFFFFF  }
0xad: {  	[dreg:$0x0] =	wrdreg $0x60  }
0xae: {  	[dreg:$0x2] =	wrdreg s24  }
0xaf: {  	[dreg:$0x3] =	wrdreg s2  }
0xb0: {  	[dreg:$0x4] =	wrdreg $0xB9800  }
0xb1: {  	[dreg:$0x5] =	wrdreg $0x9  }
0xb2: {  	_ =	task.clear_ibuf [dreg:s7], $0x6FFFF;
	_ =	strace $0x90000046  }
0xb3: {  	s29 =	simm.s32 $0x9;
	_ =	strace $0x80000048  }
0xb4: {  	_ =	swait.ge [sflag:s29], $0x1  }
0xb5: {  	[sflag:s29] =	ssyncadd.s32 $0xFFFFFFFF  }
0xb6: {  	_ =	strace $0x90000048  }
0xb7: {  	_ =	sfence  }
0xb8: {  	s30 =	sld [smem:$0x0];
	_ =	sdelay $0x2  }
0xb9: {  	s31 =	sshll.u32 s1, $0xD;
	s1 =	sshrl.u32 s1, $0x2  }
0xba: {  	s3 =	sand.u32 $0x4000, s31;
	s1 =	sadd.s32 s1, s30  }
0xbb: {  	s0 =	sor.u32 s3, s0;
	s1 =	sshll.u32 s1, $0x11  }
0xbc: {  	s0 =	sor.u32 s1, s0  }
0xbd: {  	s0 =	sadd.s32 $0x8F2B, s0  }
0xbe: {  	[sflag:s0] =	ssyncadd.remote.s32 $0x1  }
0xbf: {  	_ =	sfence.sel $0xFFFF  }
0xc0: {  	[dreg:$0x0] =	wrdreg $0xFFFFFFFF;
	(pc) =	sbr.abs _section_cstart, $3  }
0xc1: {  	[dreg:$0x1] =	wrdreg $0xFFFFFFFF  }
0xc2: {  	_ =	task.clear_ibuf [dreg:s7], $0x2FFFF;
	_ =	strace $0x9FFFFFFF  }
0xc3: {  	(tm) =	ssettm $0x7FFFFFFF  }
tec
execute0_lowered:
.L_overlay_start_1:
0x0: {  	(tag) =	ssettag $0x1  }
0x1: {  	s0 =	rddreg [dreg:$0x0]  }
0x2: {  	s1 =	rddreg [dreg:$0x1]  }
0x3: {  	s2 =	rddreg [dreg:$0x2];
	s3 =	srdreg.scid  }
0x4: {  	s4 =	simm.s32 $0x0;
	s11 =	stileid.u32;
	s28 =	simm.s32 $0x80  }
0x5: {  	s29 =	simm.s32 $0x1;
	s30 =	simm.s32 $0x5000;
	s31 =	simm.s32 $0x7900  }
0x6: {  	s3 =	sand.u32 $0x1, s3;
	[smem:$0x7FF] =	sst s4;
	s6 =	sadd.s32 $0x33C00, s0  }
0x7: {  	s7 =	sadd.s32 $0x34200, s0;
	s9 =	sshll.u32 s11, $0x7;
	s21 =	smul.u32 $0x50000, s11  }
0x8: {  	s8 =	sadd.s32 $0xBC00, s0;
	s15 =	sadd.s32 $0x34800, s0;
	s13 =	smul.u32 $0x14000, s11  }
0x9: {  	s5 =	sshll.u32 s3, $0x4;
	_ =	strace $0x80000047;
	[dreg:$0x4] =	wrdreg s6  }
0xa: {  	[dreg:$0x5] =	wrdreg s7;
	s7 =	sadd.s32 $0x1C00, s0;
	s9 =	sand.u32 $0x380, s9  }
0xb: {  	s10 =	ssub.s32 $0x2, s3;
	s3 =	smul.u32 $0x140000, s3;
	s5 =	sor.u32 s11, s5  }
0xc: {  	s22 =	sshrl.u32 s10, $0x1;
	s14 =	sadd.s32 $0x4000, s13;
	s17 =	sadd.s32 $0x8000, s13  }
0xd: {  	s18 =	sadd.s32 $0xC000, s13;
	s19 =	sadd.s32 $0x10000, s13;
	s20 =	sshrl.u32 s5, $0x3  }
0xe: {  	s11 =	sadd.s32 s17, s2;
	s12 =	sadd.s32 s18, s2;
	s16 =	sadd.s32 s13, s3  }
0xf: {  	s13 =	sadd.s32 s19, s2;
	s25 =	sadd.s32 s3, s17;
	s26 =	sadd.s32 s3, s18  }
0x10: {  	s6 =	smul.u32 $0x14000, s20;
	s16 =	sshrl.u32 s16, $0x3;
	s18 =	sshrl.u32 s26, $0x3  }
0x11: {  	s26 =	simm.s32 $0x7880;
	s23 =	sadd.s32 s15, s16;
	s18 =	sadd.s32 s15, s18  }
0x12: {  	s6 =	sor.u32 s9, s6;
	s9 =	sshrl.u32 s21, $0x2;
	[dreg:$0x6] =	wrdreg s23  }
0x13: {  	s23 =	simm.s32 $0x2;
	s6 =	sshrl.u32 s6, $0x3;
	s9 =	sadd.s32 s9, s2  }
0x14: {  	s0 =	sadd.s32 s6, s0;
	s6 =	ssub.s32 s10, s22;
	s10 =	sadd.s32 s14, s2  }
0x15: {  	s14 =	sadd.s32 s3, s14;
	s3 =	sadd.s32 s3, s19;
	s22 =	simm.s32 $0x7980  }
0x16: {  	s20 =	sshrl.u32 s14, $0x3;
	s14 =	smul.u32 $0x50, s5;
	s5 =	sshrl.u32 s25, $0x3  }
0x17: {  	s3 =	sshrl.u32 s3, $0x3;
	s21 =	smax.u32 s6, $0x1;
	s25 =	simm.s32 $0x7800  }
0x18: {  	s24 =	sadd.s32 s15, s20;
	s17 =	sadd.s32 s15, s5;
	s19 =	sadd.s32 s15, s3  }
0x19: {  	v0 =	vimm.f32 $0.0e+00;
	s20 =	sadd.s32 $0x84800, s0;
	[dreg:$0x7] =	wrdreg s24;
	s24 =	simm.s32 $0x2800  }
.LBB2_1:
0x1a: {  	s0 =	simm.s32 $0x0;
	s3 =	simm.s32 $0x200  }
.LBB2_2:
0x1b: {  	p0 =	sne.s32 s3, $0xFE00;
	[tilespmem:s0+$0x79F0] =	vst v0  }
0x1c: {  	[tilespmem:s0+$0x7980] =	vst v0  }
0x1d: {  	[tilespmem:s0+$0x7990] =	vst v0  }
.Ltmp0:
0x1e: {  	[tilespmem:s0+$0x79A0] =	vst v0;
	(pc) =	sbr.rel @p0 .LBB2_2-.Ltmp0, $4  }
0x1f: {  	[tilespmem:s0+$0x79B0] =	vst v0  }
0x20: {  	[tilespmem:s0+$0x79C0] =	vst v0  }
0x21: {  	[tilespmem:s0+$0x79D0] =	vst v0  }
0x22: {  	[tilespmem:s0+$0x79E0] =	vst v0;
	s0 =	sshra.s32 s3, $0x2;
	s3 =	sadd.s32 $0x200, s3  }
0x23: {  	[tilespmem:s0+$0x79F0] =	vst v0  }
0x24: {  	[tilespmem:s0+$0x7980] =	vst v0  }
0x25: {  	[tilespmem:s0+$0x7990] =	vst v0  }
0x26: {  	[tilespmem:s0+$0x79A0] =	vst v0  }
0x27: {  	[tilespmem:s0+$0x79B0] =	vst v0  }
0x28: {  	[tilespmem:s0+$0x79C0] =	vst v0  }
0x29: {  	[tilespmem:s0+$0x79D0] =	vst v0  }
0x2a: {  	[tilespmem:s0+$0x79E0] =	vst v0  }
0x2b: {  	[spmem:s9] =	stream.linear.scatter [tilespmem:s22], [sflag:$0x2], $0x4000, $0x38;
	[tilespmem:$0x1F980] =	vst v63  }
0x2c: {  	_ =	swait.ge [sflag:s23], $0x4000  }
0x2d: {  	[sflag:s23] =	ssyncset.done $0x0  }
0x2e: {  	[sflag:s23] =	ssyncadd.s32 $0xFFFFC000  }
0x2f: {  	[spmem:s10] =	stream.linear.scatter [tilespmem:s22], [sflag:$0x2], $0x4000, $0x38;
	[tilespmem:$0x1F980] =	vst v63  }
0x30: {  	_ =	swait.ge [sflag:s23], $0x4000  }
0x31: {  	[sflag:s23] =	ssyncset.done $0x0  }
0x32: {  	[sflag:s23] =	ssyncadd.s32 $0xFFFFC000  }
0x33: {  	[spmem:s11] =	stream.linear.scatter [tilespmem:s22], [sflag:$0x2], $0x4000, $0x38;
	[tilespmem:$0x1F980] =	vst v63  }
0x34: {  	_ =	swait.ge [sflag:s23], $0x4000  }
0x35: {  	[sflag:s23] =	ssyncset.done $0x0  }
0x36: {  	[sflag:s23] =	ssyncadd.s32 $0xFFFFC000  }
0x37: {  	[spmem:s12] =	stream.linear.scatter [tilespmem:s22], [sflag:$0x2], $0x4000, $0x38;
	[tilespmem:$0x1F980] =	vst v63  }
0x38: {  	_ =	swait.ge [sflag:s23], $0x4000  }
0x39: {  	[sflag:s23] =	ssyncset.done $0x0  }
0x3a: {  	[sflag:s23] =	ssyncadd.s32 $0xFFFFC000  }
0x3b: {  	[spmem:s13] =	stream.linear.scatter [tilespmem:s22], [sflag:$0x2], $0x4000, $0x38;
	[tilespmem:$0x1F980] =	vst v63  }
0x3c: {  	_ =	swait.ge [sflag:s23], $0x4000  }
0x3d: {  	[sflag:s23] =	ssyncset.done $0x0  }
0x3e: {  	s0 =	simm.s32 $0x40;
	s3 =	simm.s32 $0x0;
	[sflag:s23] =	ssyncadd.s32 $0xFFFFC000  }
.LBB2_4:
0x3f: {  	p0 =	sne.s32 s0, $0x9FC0;
	[tilespmem:s3+$0x5000] =	vst v0;
	s3 =	smov.u32 s0;
	s0 =	sadd.s32 $0x40, s0  }
.Ltmp1:
0x40: {  	(pc) =	sbr.rel @p0 .LBB2_4-.Ltmp1, $2  }
0x41: {  	_ =	sdelay $0x2  }
0x42: {  	s3 =	sshra.s32 s3, $0x2  }
0x43: {  	[tilespmem:s3+$0x5000] =	vst v0;
	s3 =	simm.s32 $0x0;
	s0 =	rddreg [dreg:$0x4]  }
0x44: {  	[tilespmem:s3], [sflag:$0x2] =	stream.linear.gather [hbm4b:s0+s3], $0x2800, $0x38;
	[tilespmem:$0x1F980] =	vst v63  }
0x45: {  	_ =	swait.ge [sflag:s23], $0x2800  }
0x46: {  	[sflag:s23] =	ssyncset.done $0x0  }
0x47: {  	s16 =	rddreg [dreg:$0x5];
	[sflag:s23] =	ssyncadd.s32 $0xFFFFD800  }
0x48: {  	[tilespmem:s24], [sflag:$0x2] =	stream.linear.gather [hbm4b:s16+s3], $0x2800, $0x38;
	[tilespmem:$0x1F980] =	vst v63  }
0x49: {  	_ =	swait.ge [sflag:s23], $0x2800  }
0x4a: {  	[sflag:s23] =	ssyncset.done $0x0  }
0x4b: {  	[sflag:s23] =	ssyncadd.s32 $0xFFFFD800  }
0x4c: {  	s0 =	simm.s32 $0x0;
	[bflag:$0x0] =	sbarrier.arrive $0xFFFF  }
.LBB2_6:
0x4d: {  	s5 =	sadd.s32 s14, s0  }
0x4e: {  	s5 =	sshll.u32 s5, $0x4  }
0x4f: {  	s6 =	sadd.s32 s1, s5  }
0x50: {  	[tilespmem:s25], [sflag:$0x2] =	stream.linear.gather [hbm4b:s6+s3], $0x80, $0x38;
	[tilespmem:$0x1F980] =	vst v63  }
0x51: {  	_ =	swait.ge [sflag:s23], $0x80  }
0x52: {  	[sflag:s23] =	ssyncset.done $0x0  }
0x53: {  	s5 =	sadd.s32 s7, s5;
	[sflag:s23] =	ssyncadd.s32 $0xFFFFFF80  }
0x54: {  	[tilespmem:s26], [sflag:$0x2] =	stream.linear.gather [hbm4b:s5+s3], $0x80, $0x38;
	[tilespmem:$0x1F980] =	vst v63  }
0x55: {  	_ =	swait.ge [sflag:s23], $0x80  }
0x56: {  	[sflag:s23] =	ssyncset.done $0x0  }
0x57: {  	[sflag:s23] =	ssyncadd.s32 $0xFFFFFF80  }
0x58: {  	[tilespmem:s22], [sflag:$0x1] =	stream.indirect.gather [hbm4b:s8+s28], $0x80, s26, s28, $0xb8;
	[tilespmem:$0x1F980] =	vst v63  }
0x59: {  	_ =	swait.ge [sflag:s29], $0x4000  }
0x5a: {  	[sflag:s29] =	ssyncset.done $0x0  }
0x5b: {  	[sflag:s29] =	ssyncadd.s32 $0xFFFFC000  }
0x5c: {  	v1 =	vld [tilespmem:$0x7800]  }
0x5d: {  	v2 =	vld [tilespmem:$0x7880];
	_ =	sdelay $0x6  }
0x5e: {  	v3 =	vld.idx.msk [tilespmem:v1+s3+$0x0], $0xffff  }
0x5f: {  	v2 =	vld.idx.msk [tilespmem:v2+s24+$0x0], $0xffff;
	_ =	sdelay $0x4  }
0x60: {  	v2 =	vadd.f32 v2, v3;
	_ =	sdelay $0x1  }
0x61: {  	v3 =	vmul.f32 $1.442695020e+00, v2;
	_ =	sdelay $0x1  }
0x62: {  	(erf) = vpow2.f32 v3;
	_ =	sdelay $0x8  }
0x63: {  	v3 =	vpop (erf)  }
0x64: {  	v3 =	vadd.f32 $-1.000000000e+00, v3;
	_ =	sdelay $0x1  }
0x65: {  	v3 =	vmul.f32 $1.000000010e-01, v3  }
0x66: {  	vm0 =	vgt.f32 v2, $0.0e+00  }
0x67: {  	v2 =	vsel vm0, v2, v3  }
0x68: {  	v2 =	vmul.f32 $1.442695020e+00, v2;
	_ =	sdelay $0x1  }
0x69: {  	(erf) = vpow2.f32 v2;
	_ =	sdelay $0x8  }
0x6a: {  	v2 =	vpop (erf)  }
0x6b: {  	[tilespmem:$0x7900] =	vst v2  }
0x6c: {  	[tilespmem:v1+s30+$0x0] =	vst.idx.add.f32.msk $0xffff, v2  }
0x6d: {  	v1 =	vld [tilespmem:$0x7810]  }
0x6e: {  	v2 =	vld [tilespmem:$0x7890];
	_ =	sdelay $0x6  }
0x6f: {  	v3 =	vld.idx.msk [tilespmem:v1+s3+$0x0], $0xffff  }
0x70: {  	v2 =	vld.idx.msk [tilespmem:v2+s24+$0x0], $0xffff;
	_ =	sdelay $0x4  }
0x71: {  	v2 =	vadd.f32 v2, v3;
	_ =	sdelay $0x1  }
0x72: {  	v3 =	vmul.f32 $1.442695020e+00, v2;
	_ =	sdelay $0x1  }
0x73: {  	(erf) = vpow2.f32 v3;
	_ =	sdelay $0x8  }
0x74: {  	v3 =	vpop (erf)  }
0x75: {  	v3 =	vadd.f32 $-1.000000000e+00, v3;
	_ =	sdelay $0x1  }
0x76: {  	v3 =	vmul.f32 $1.000000010e-01, v3  }
0x77: {  	vm9 =	vgt.f32 v2, $0.0e+00  }
0x78: {  	v2 =	vsel vm9, v2, v3  }
0x79: {  	v2 =	vmul.f32 $1.442695020e+00, v2;
	_ =	sdelay $0x1  }
0x7a: {  	(erf) = vpow2.f32 v2;
	_ =	sdelay $0x8  }
0x7b: {  	v2 =	vpop (erf)  }
0x7c: {  	[tilespmem:$0x7910] =	vst v2  }
0x7d: {  	[tilespmem:v1+s30+$0x0] =	vst.idx.add.f32.msk $0xffff, v2  }
0x7e: {  	v1 =	vld [tilespmem:$0x7820]  }
0x7f: {  	v2 =	vld [tilespmem:$0x78A0];
	_ =	sdelay $0x6  }
0x80: {  	v3 =	vld.idx.msk [tilespmem:v1+s3+$0x0], $0xffff  }
0x81: {  	v2 =	vld.idx.msk [tilespmem:v2+s24+$0x0], $0xffff;
	_ =	sdelay $0x4  }
0x82: {  	v2 =	vadd.f32 v2, v3;
	_ =	sdelay $0x1  }
0x83: {  	v3 =	vmul.f32 $1.442695020e+00, v2;
	_ =	sdelay $0x1  }
0x84: {  	(erf) = vpow2.f32 v3;
	_ =	sdelay $0x8  }
0x85: {  	v3 =	vpop (erf)  }
0x86: {  	v3 =	vadd.f32 $-1.000000000e+00, v3;
	_ =	sdelay $0x1  }
0x87: {  	v3 =	vmul.f32 $1.000000010e-01, v3  }
0x88: {  	vm10 =	vgt.f32 v2, $0.0e+00  }
0x89: {  	v2 =	vsel vm10, v2, v3  }
0x8a: {  	v2 =	vmul.f32 $1.442695020e+00, v2;
	_ =	sdelay $0x1  }
0x8b: {  	(erf) = vpow2.f32 v2;
	_ =	sdelay $0x8  }
0x8c: {  	v2 =	vpop (erf)  }
0x8d: {  	[tilespmem:$0x7920] =	vst v2  }
0x8e: {  	[tilespmem:v1+s30+$0x0] =	vst.idx.add.f32.msk $0xffff, v2  }
0x8f: {  	v1 =	vld [tilespmem:$0x7830]  }
0x90: {  	v2 =	vld [tilespmem:$0x78B0];
	_ =	sdelay $0x6  }
0x91: {  	v3 =	vld.idx.msk [tilespmem:v1+s3+$0x0], $0xffff  }
0x92: {  	v2 =	vld.idx.msk [tilespmem:v2+s24+$0x0], $0xffff;
	_ =	sdelay $0x4  }
0x93: {  	v2 =	vadd.f32 v2, v3;
	_ =	sdelay $0x1  }
0x94: {  	v3 =	vmul.f32 $1.442695020e+00, v2;
	_ =	sdelay $0x1  }
0x95: {  	(erf) = vpow2.f32 v3;
	_ =	sdelay $0x8  }
0x96: {  	v3 =	vpop (erf)  }
0x97: {  	v3 =	vadd.f32 $-1.000000000e+00, v3;
	_ =	sdelay $0x1  }
0x98: {  	v3 =	vmul.f32 $1.000000010e-01, v3  }
0x99: {  	vm11 =	vgt.f32 v2, $0.0e+00  }
0x9a: {  	v2 =	vsel vm11, v2, v3  }
0x9b: {  	v2 =	vmul.f32 $1.442695020e+00, v2;
	_ =	sdelay $0x1  }
0x9c: {  	(erf) = vpow2.f32 v2;
	_ =	sdelay $0x8  }
0x9d: {  	v2 =	vpop (erf)  }
0x9e: {  	[tilespmem:$0x7930] =	vst v2  }
0x9f: {  	[tilespmem:v1+s30+$0x0] =	vst.idx.add.f32.msk $0xffff, v2  }
0xa0: {  	v1 =	vld [tilespmem:$0x7840]  }
0xa1: {  	v2 =	vld [tilespmem:$0x78C0];
	_ =	sdelay $0x6  }
0xa2: {  	v3 =	vld.idx.msk [tilespmem:v1+s3+$0x0], $0xffff  }
0xa3: {  	v2 =	vld.idx.msk [tilespmem:v2+s24+$0x0], $0xffff;
	_ =	sdelay $0x4  }
0xa4: {  	v2 =	vadd.f32 v2, v3;
	_ =	sdelay $0x1  }
0xa5: {  	v3 =	vmul.f32 $1.442695020e+00, v2;
	_ =	sdelay $0x1  }
0xa6: {  	(erf) = vpow2.f32 v3;
	_ =	sdelay $0x8  }
0xa7: {  	v3 =	vpop (erf)  }
0xa8: {  	v3 =	vadd.f32 $-1.000000000e+00, v3;
	_ =	sdelay $0x1  }
0xa9: {  	v3 =	vmul.f32 $1.000000010e-01, v3  }
0xaa: {  	vm12 =	vgt.f32 v2, $0.0e+00  }
0xab: {  	v2 =	vsel vm12, v2, v3  }
0xac: {  	v2 =	vmul.f32 $1.442695020e+00, v2;
	_ =	sdelay $0x1  }
0xad: {  	(erf) = vpow2.f32 v2;
	_ =	sdelay $0x8  }
0xae: {  	v2 =	vpop (erf)  }
0xaf: {  	[tilespmem:$0x7940] =	vst v2  }
0xb0: {  	[tilespmem:v1+s30+$0x0] =	vst.idx.add.f32.msk $0xffff, v2  }
0xb1: {  	v1 =	vld [tilespmem:$0x7850]  }
0xb2: {  	v2 =	vld [tilespmem:$0x78D0];
	_ =	sdelay $0x6  }
0xb3: {  	v3 =	vld.idx.msk [tilespmem:v1+s3+$0x0], $0xffff  }
0xb4: {  	v2 =	vld.idx.msk [tilespmem:v2+s24+$0x0], $0xffff;
	_ =	sdelay $0x4  }
0xb5: {  	v2 =	vadd.f32 v2, v3;
	_ =	sdelay $0x1  }
0xb6: {  	v3 =	vmul.f32 $1.442695020e+00, v2;
	_ =	sdelay $0x1  }
0xb7: {  	(erf) = vpow2.f32 v3;
	_ =	sdelay $0x8  }
0xb8: {  	v3 =	vpop (erf)  }
0xb9: {  	v3 =	vadd.f32 $-1.000000000e+00, v3;
	_ =	sdelay $0x1  }
0xba: {  	v3 =	vmul.f32 $1.000000010e-01, v3  }
0xbb: {  	vm13 =	vgt.f32 v2, $0.0e+00  }
0xbc: {  	v2 =	vsel vm13, v2, v3  }
0xbd: {  	v2 =	vmul.f32 $1.442695020e+00, v2;
	_ =	sdelay $0x1  }
0xbe: {  	(erf) = vpow2.f32 v2;
	_ =	sdelay $0x8  }
0xbf: {  	v2 =	vpop (erf)  }
0xc0: {  	[tilespmem:$0x7950] =	vst v2  }
0xc1: {  	[tilespmem:v1+s30+$0x0] =	vst.idx.add.f32.msk $0xffff, v2  }
0xc2: {  	v1 =	vld [tilespmem:$0x7860]  }
0xc3: {  	v2 =	vld [tilespmem:$0x78E0];
	_ =	sdelay $0x6  }
0xc4: {  	v3 =	vld.idx.msk [tilespmem:v1+s3+$0x0], $0xffff  }
0xc5: {  	v2 =	vld.idx.msk [tilespmem:v2+s24+$0x0], $0xffff;
	_ =	sdelay $0x4  }
0xc6: {  	v2 =	vadd.f32 v2, v3;
	_ =	sdelay $0x1  }
0xc7: {  	v3 =	vmul.f32 $1.442695020e+00, v2;
	_ =	sdelay $0x1  }
0xc8: {  	(erf) = vpow2.f32 v3;
	_ =	sdelay $0x8  }
0xc9: {  	v3 =	vpop (erf)  }
0xca: {  	v3 =	vadd.f32 $-1.000000000e+00, v3;
	_ =	sdelay $0x1  }
0xcb: {  	v3 =	vmul.f32 $1.000000010e-01, v3  }
0xcc: {  	vm14 =	vgt.f32 v2, $0.0e+00  }
0xcd: {  	v2 =	vsel vm14, v2, v3  }
0xce: {  	v2 =	vmul.f32 $1.442695020e+00, v2;
	_ =	sdelay $0x1  }
0xcf: {  	(erf) = vpow2.f32 v2;
	_ =	sdelay $0x8  }
0xd0: {  	v2 =	vpop (erf)  }
0xd1: {  	[tilespmem:$0x7960] =	vst v2  }
0xd2: {  	[tilespmem:v1+s30+$0x0] =	vst.idx.add.f32.msk $0xffff, v2  }
0xd3: {  	v1 =	vld [tilespmem:$0x7870]  }
0xd4: {  	v2 =	vld [tilespmem:$0x78F0];
	_ =	sdelay $0x6  }
0xd5: {  	v3 =	vld.idx.msk [tilespmem:v1+s3+$0x0], $0xffff  }
0xd6: {  	v2 =	vld.idx.msk [tilespmem:v2+s24+$0x0], $0xffff;
	_ =	sdelay $0x4  }
0xd7: {  	v2 =	vadd.f32 v2, v3;
	_ =	sdelay $0x1  }
0xd8: {  	v3 =	vmul.f32 $1.442695020e+00, v2;
	_ =	sdelay $0x1  }
0xd9: {  	(erf) = vpow2.f32 v3;
	_ =	sdelay $0x8  }
0xda: {  	v3 =	vpop (erf)  }
0xdb: {  	v3 =	vadd.f32 $-1.000000000e+00, v3;
	_ =	sdelay $0x1  }
0xdc: {  	v3 =	vmul.f32 $1.000000010e-01, v3  }
0xdd: {  	vm15 =	vgt.f32 v2, $0.0e+00  }
0xde: {  	v2 =	vsel vm15, v2, v3  }
0xdf: {  	v2 =	vmul.f32 $1.442695020e+00, v2;
	_ =	sdelay $0x1  }
0xe0: {  	(erf) = vpow2.f32 v2;
	_ =	sdelay $0x8  }
0xe1: {  	v2 =	vpop (erf)  }
0xe2: {  	v3 =	vmov s3;
	[tilespmem:$0x7970] =	vst v2  }
0xe3: {  	s5 =	simm.s32 $0x79C0;
	[tilespmem:v1+s30+$0x0] =	vst.idx.add.f32.msk $0xffff, v2  }
0xe4: {  	v5 =	vld [tilespmem:s5+$0x30]  }
0xe5: {  	v8 =	vld [tilespmem:s5+$0x10]  }
0xe6: {  	v6 =	vld [tilespmem:s5+$0xFFFFFFC0]  }
0xe7: {  	v2 =	vld.idx.msk [tilespmem:v3+s31+$0x0], $0xffff  }
0xe8: {  	v10 =	vld [tilespmem:s5+$0xFFFFFFE0]  }
0xe9: {  	v1 =	vld [tilespmem:s5+$0xFFFFFFF0]  }
0xea: {  	v3 =	vld [tilespmem:s5+$0x20]  }
0xeb: {  	v4 =	vld [tilespmem:s5+$0xFFFFFFD0]  }
0xec: {  	v9 =	vmul.f32 v5, v2;
	v5 =	vld [tilespmem:s5+$0x0]  }
0xed: {  	v7 =	vmul.f32 v6, v2  }
0xee: {  	s15 =	simm.s32 $0x79C0;
	s6 =	simm.s32 $0x1;
	v6 =	vmul.f32 v10, v2;
	v8 =	vmul.f32 v8, v2  }
.LBB2_7:
0xef: {  	p0 =	sne.s32 s6, $0x7F  }
0xf0: {  	v4 =	vmul.f32 v4, v2;
	v3 =	vmul.f32 v3, v2;
	[tilespmem:s5+$0x30] =	vst v9;
	s15 =	sadd.s32 $0x80, s15;
	s16 =	smov.u32 s6;
	s6 =	sadd.s32 $0x1, s6  }
0xf1: {  	[tilespmem:s5+$0xFFFFFFC0] =	vst v7;
	v7 =	vmul.f32 v1, v2;
	v2 =	vmul.f32 v5, v2  }
0xf2: {  	[tilespmem:s5+$0x10] =	vst v8  }
0xf3: {  	v5 =	vmov s16;
	[tilespmem:s5+$0xFFFFFFE0] =	vst v6  }
0xf4: {  	v1 =	vld [tilespmem:s15+$0xFFFFFFF0];
	[tilespmem:s5+$0xFFFFFFF0] =	vst v7  }
0xf5: {  	v6 =	vld [tilespmem:s15+$0x30];
	[tilespmem:s5+$0x0] =	vst v2  }
0xf6: {  	v8 =	vld [tilespmem:s15+$0x10];
	[tilespmem:s5+$0x20] =	vst v3  }
0xf7: {  	v7 =	vld [tilespmem:s15+$0xFFFFFFC0];
	[tilespmem:s5+$0xFFFFFFD0] =	vst v4;
	s5 =	smov.u32 s15  }
0xf8: {  	v2 =	vld.idx.msk [tilespmem:v5+s31+$0x0], $0xffff  }
0xf9: {  	v10 =	vld [tilespmem:s15+$0xFFFFFFE0]  }
0xfa: {  	v3 =	vld [tilespmem:s15+$0x20]  }
.Ltmp2:
0xfb: {  	v4 =	vld [tilespmem:s15+$0xFFFFFFD0];
	(pc) =	sbr.rel @p0 .LBB2_7-.Ltmp2, $3  }
0xfc: {  	v5 =	vld [tilespmem:s15+$0x0];
	_ =	sdelay $0x1  }
0xfd: {  	v7 =	vmul.f32 v7, v2;
	v9 =	vmul.f32 v6, v2  }
0xfe: {  	v8 =	vmul.f32 v8, v2;
	v6 =	vmul.f32 v10, v2  }
0xff: {  	[tilespmem:s5+$0x30] =	vst v9  }
0x100: {  	[tilespmem:s5+$0xFFFFFFC0] =	vst v7  }
0x101: {  	v1 =	vmul.f32 v1, v2;
	[tilespmem:s5+$0x10] =	vst v8  }
0x102: {  	v3 =	vmul.f32 v3, v2;
	[tilespmem:s5+$0xFFFFFFE0] =	vst v6  }
0x103: {  	v5 =	vmul.f32 v5, v2;
	[tilespmem:s5+$0xFFFFFFF0] =	vst v1  }
0x104: {  	s0 =	sadd.s32 $0x1, s0;
	v1 =	vmul.f32 v4, v2;
	[tilespmem:s5+$0x20] =	vst v3  }
0x105: {  	p0 =	sne.s32 s0, $0x50;
	[tilespmem:s5+$0x0] =	vst v5  }
.Ltmp3:
0x106: {  	[tilespmem:s5+$0xFFFFFFD0] =	vst v1;
	(pc) =	sbr.rel @p0 .LBB2_6-.Ltmp3, $4  }
0x107: {  	[spmem:s2] =	stream.indirect.scatter.add.f32 [tilespmem:s22], [sflag:$0x2], $0x80, s25, s28, $0xb8;
	[tilespmem:$0x1F980] =	vst v63  }
0x108: {  	_ =	swait.ge [sflag:s23], $0x4000  }
0x109: {  	[sflag:s23] =	ssyncset.done $0x0  }
0x10a: {  	[sflag:s23] =	ssyncadd.s32 $0xFFFFC000  }
0x10b: {  	s0 =	stileid.u32  }
0x10c: {  	[bflag:$0x0] =	sbarrier.arrive $0xFFFF;
	s0 =	sshll.u32 s0, $0x6  }
0x10d: {  	s3 =	sshrl.u32 s9, $0x3;
	s5 =	rddreg [dreg:$0x6];
	s0 =	sor.u32 $0x1C02, s0  }
0x10e: {  	[hbm:s5], [sflag:s0] =	dma.local [spmem:s3], $0x800  }
0x10f: {  	_ =	swait.ge [sflag:s23], $0x800  }
0x110: {  	[sflag:s23] =	ssyncset.done $0x0  }
0x111: {  	s15 =	sshrl.u32 s10, $0x3;
	s16 =	rddreg [dreg:$0x7];
	[sflag:s23] =	ssyncadd.s32 $0xFFFFF800  }
0x112: {  	[hbm:s16], [sflag:s0] =	dma.local [spmem:s15], $0x800  }
0x113: {  	_ =	swait.ge [sflag:s23], $0x800  }
0x114: {  	[sflag:s23] =	ssyncset.done $0x0  }
0x115: {  	s5 =	sshrl.u32 s11, $0x3;
	[sflag:s23] =	ssyncadd.s32 $0xFFFFF800  }
0x116: {  	[hbm:s17], [sflag:s0] =	dma.local [spmem:s5], $0x800  }
0x117: {  	_ =	swait.ge [sflag:s23], $0x800  }
0x118: {  	[sflag:s23] =	ssyncset.done $0x0  }
0x119: {  	s6 =	sshrl.u32 s12, $0x3;
	[sflag:s23] =	ssyncadd.s32 $0xFFFFF800  }
0x11a: {  	[hbm:s18], [sflag:s0] =	dma.local [spmem:s6], $0x800  }
0x11b: {  	_ =	swait.ge [sflag:s23], $0x800  }
0x11c: {  	[sflag:s23] =	ssyncset.done $0x0  }
0x11d: {  	s15 =	sshrl.u32 s13, $0x3;
	[sflag:s23] =	ssyncadd.s32 $0xFFFFF800  }
0x11e: {  	[hbm:s19], [sflag:s0] =	dma.local [spmem:s15], $0x800  }
0x11f: {  	s4 =	sadd.s32 $0x1, s4;
	_ =	swait.ge [sflag:s23], $0x800  }
0x120: {  	p0 =	sne.s32 s4, s21;
	[sflag:s23] =	ssyncset.done $0x0  }
.Ltmp4:
0x121: {  	s16 =	simm.s32 $0x400;
	[sflag:s23] =	ssyncadd.s32 $0xFFFFF800;
	(pc) =	sbr.rel @p0 .LBB2_1-.Ltmp4, $4  }
0x122: {  	[hbm4b:s20+s28] =	stream.strided.scatter [tilespmem:s30], [sflag:$0x2], $0x2800, s16, s28, $0x38;
	[tilespmem:$0x1F980] =	vst v63  }
0x123: {  	_ =	swait.ge [sflag:s23], $0x2800  }
0x124: {  	[sflag:s23] =	ssyncset.done $0x0  }
0x125: {  	[sflag:s23] =	ssyncadd.s32 $0xFFFFD800  }
0x126: {  	_ =	sfence.sel $0x180000  }
0x127: {  	[bflag:$0x0] =	sbarrier.arrive $0xFFFF  }
0x128: {  	_ =	strace $0x90000047  }
0x129: {  	s0 =	stileid.u32;
	[bflag:$0x2] =	sbarrier.arrive $0xFFFF  }
0x12a: {  	p0 =	sne.s32 s0, $0x0;
	s0 =	rddreg [dreg:$0x3]  }
0x12b: {  	s0 =	sadd.s32 @!p0 $0x100000, s0  }
0x12c: {  	[sflag:s0] =	ssyncadd.tile.s32 @!p0 $0x1;
	_ =	shalt  }
.Lfunc_end2:
_tile_overlayer_lowered:
.L_overlay_start_2:
0x12d: {  	(tag) =	ssettag $0x2  }
0x12e: {  	s0 =	rddreg [dreg:$0x0];
	s2 =	stileid.u32  }
0x12f: {  	s1 =	rddreg [dreg:$0x1];
	p0 =	sne.s32 s2, $0x0  }
0x130: {  	s3 =	rddreg [dreg:$0x2];
	[bflag:$0x3] =	sbarrier.arrive $0xFFFF;
	s2 =	simm.s32 @!p0 $0x1C02  }
0x131: {  	[timem:s3], [sflag:s2] =	dma.local @!p0 [hbm:s0], s1  }
0x132: {  	s0 =	simm.s32 @!p0 $0x2  }
0x133: {  	_ =	swait.ge @!p0 [sflag:s0], s1  }
0x134: {  	s1 =	ssub.s32 @!p0 $0x0, s1;
	[sflag:s0] =	ssyncset.done @!p0 $0x0  }
0x135: {  	[sflag:s0] =	ssyncadd.s32 @!p0 s1  }
0x136: {  	[bflag:$0x3] =	sbarrier.arrive $0xFFFF  }
0x137: {  	_ =	shalt  }

</sc_bundles>
